<compile_context>
chip_gen: v7x
topology: tpu7x:2x2x1
jax: 0.10.2.dev20260603
libtpu: 0.0.44.dev20260713+nightly
codegen_flags: <defaults>
</compile_context>

<pallas_src>
import jax
import jax.numpy as jnp
from jax import lax
from jax.experimental import pallas as pl
from jax.experimental.pallas import tpu as pltpu, tpu_sc as plsc

HIDDEN = 128

_NC = 2
_NS = 16
_NW = _NC * _NS

_SEQS = 4096
_SEQLEN = 50
_SEQ_PER_W = _SEQS // _NW
_NBUF = 5
_LOOK = 3


def _gather_body(table_hbm, idx_hbm, out_hbm, idx_v, rows_v, g_sem, w_sem):
    wid = lax.axis_index("c") * _NS + lax.axis_index("s")
    col = wid * _SEQ_PER_W
    pltpu.sync_copy(idx_hbm.at[:, pl.ds(col, _SEQ_PER_W)], idx_v)

    def start_gather(t, b):
        pltpu.async_copy(table_hbm.at[idx_v.at[t]], rows_v.at[b], g_sem.at[b])

    def wait_gather(b):
        pltpu.make_async_copy(
            table_hbm.at[idx_v.at[0]], rows_v.at[b], g_sem.at[b]
        ).wait()

    def start_write(t, b):
        pltpu.async_copy(
            rows_v.at[b], out_hbm.at[t, pl.ds(col, _SEQ_PER_W)], w_sem.at[b]
        )

    def wait_write(b):
        pltpu.make_async_copy(
            rows_v.at[b], out_hbm.at[0, pl.ds(col, _SEQ_PER_W)], w_sem.at[b]
        ).wait()

    def visit(t, has_prev_write, do_look):
        if has_prev_write:
            wait_write((t + _LOOK) % _NBUF)
        if do_look:
            start_gather(t + _LOOK, (t + _LOOK) % _NBUF)
        wait_gather(t % _NBUF)
        start_write(t, t % _NBUF)

    for t in range(_LOOK):
        start_gather(t, t % _NBUF)

    for t in range(_NBUF):
        visit(t, has_prev_write=(t >= _NBUF - _LOOK), do_look=True)

    def body(g, carry):
        for bi in range(_NBUF):
            t = g * _NBUF + bi
            visit(t, has_prev_write=True, do_look=True)
        return carry

    lax.fori_loop(1, _SEQLEN // _NBUF - 1, body, 0)

    for bi in range(_NBUF):
        t = (_SEQLEN // _NBUF - 1) * _NBUF + bi
        visit(t, has_prev_write=True, do_look=(t + _LOOK < _SEQLEN))

    for t in range(_SEQLEN - (_NBUF - _LOOK), _SEQLEN):
        wait_write(t % _NBUF)


def kernel(input_ids, table):
    ids_t = input_ids.T
    mesh = plsc.VectorSubcoreMesh(core_axis_name="c", subcore_axis_name="s")
    out_t = pl.kernel(
        _gather_body,
        mesh=mesh,
        out_type=jax.ShapeDtypeStruct((_SEQLEN, _SEQS, HIDDEN), jnp.float32),
        scratch_types=[
            pltpu.VMEM((_SEQLEN, _SEQ_PER_W), jnp.int32),
            pltpu.VMEM((_NBUF, _SEQ_PER_W, HIDDEN), jnp.float32),
            pltpu.SemaphoreType.DMA((_NBUF,)),
            pltpu.SemaphoreType.DMA((_NBUF,)),
        ],
    )(table, ids_t)
    return jnp.transpose(out_t, (1, 0, 2))

# --- scband reference (transcript-rebuilt; emitter-appended) ---
"""Pipeline reference for scband-token-embedding-16801912062839 (READ-ONLY COPY).

The authoritative reference and input builder live on the scoring server;
editing this copy changes nothing except your own understanding.
"""

import jax, jax.numpy as jnp
import numpy as np

VOCAB = 100000
HIDDEN = 128
PAD_ID = 0
INIT_RANGE = 0.02


def setup_inputs(seed: int = 0) -> dict:
    key = jax.random.key(seed)
    k_idx, k_tab = jax.random.split(key)
    input_ids = jax.random.randint(k_idx, (4096, 50), 0, VOCAB, dtype=jnp.int64 if jax.config.jax_enable_x64 else jnp.int32).astype(jnp.int32)
    table = jax.random.normal(k_tab, (VOCAB, HIDDEN), dtype=jnp.float32) * INIT_RANGE
    # padding_idx row is zeroed in nn.Embedding with padding_idx set
    table = table.at[PAD_ID].set(0.0)
    return {"input_ids": input_ids, "table": table}


def reference(input_ids, table):
    # nn.Embedding forward: gather rows of the table
    return jnp.take(table, input_ids, axis=0)

if __name__ == "__main__":
    import jax
    _d = setup_inputs()
    print(jax.jit(kernel)(*tuple(_d.values())))

</pallas_src>

<mosaic_0001>
#map = affine_map<(d0, d1) -> (0, 0)>
#map1 = affine_map<(d0, d1) -> (0, 0, 0)>
module attributes {stable_mosaic.version = 14 : i64} {
  func.func @_gather_body(%arg0: i32, %arg1: i32, %arg2: memref<100000x128xf32, #tpu.memory_space<hbm>>, %arg3: memref<50x4096xi32, #tpu.memory_space<hbm>>, %arg4: memref<50x4096x128xf32, #tpu.memory_space<hbm>>, %arg5: memref<50x128xi32, #tpu.memory_space<vmem>>, %arg6: memref<5x128x128xf32, #tpu.memory_space<vmem>>, %arg7: memref<5x!tpu.dma_semaphore, #tpu.memory_space<semaphore_mem>>, %arg8: memref<5x!tpu.dma_semaphore, #tpu.memory_space<semaphore_mem>>) attributes {dimension_semantics = [#tpu.dimension_semantics<core_parallel>, #tpu.dimension_semantics<subcore_parallel>], iteration_bounds = array<i64: 2, 16>, scalar_prefetch = 0 : i64, scratch_operands = 4 : i64, tpu.core_type = #tpu.core_type<sc_vector_subcore>, window_params = [{transform_indices = #map}, {transform_indices = #map}, {transform_indices = #map1}]} {
    %mul3A = arith.constant 16 : i32
    %mul3A_0 = arith.muli %arg0, %mul3A : i32
    %add3A = arith.addi %mul3A_0, %arg1 : i32
    %mul3A_1 = arith.constant 128 : i32
    %mul3A_2 = arith.muli %add3A, %mul3A_1 : i32
    "tpu.region"() ({
      %run_scoped3A = tpu.sem_alloc : memref<!tpu.dma_semaphore, #tpu.memory_space<semaphore_mem>>
      %dma_start3A_686 = arith.constant 0 : i32
      %dma_start3A_687 = tpu.memref_slice %arg3[%dma_start3A_686, %mul3A_2] : memref<50x4096xi32, #tpu.memory_space<hbm>> -> memref<50x128xi32, #tpu.memory_space<hbm>>
      %dma_start3A_688 = arith.constant 0 : i32
      %dma_start3A_689 = tpu.memref_slice %arg3[%dma_start3A_688, %mul3A_2] : memref<50x4096xi32, #tpu.memory_space<hbm>> -> memref<50x128xi32, #tpu.memory_space<hbm>>
      tpu.enqueue_dma source(%dma_start3A_689 : memref<50x128xi32, #tpu.memory_space<hbm>>) target(%arg5 : memref<50x128xi32, #tpu.memory_space<vmem>>) target_semaphore(%run_scoped3A : memref<!tpu.dma_semaphore, #tpu.memory_space<semaphore_mem>>)
      %dma_wait3A_690 = arith.constant 0 : i32
      %dma_wait3A_691 = tpu.memref_slice %arg3[%dma_wait3A_690, %mul3A_2] : memref<50x4096xi32, #tpu.memory_space<hbm>> -> memref<50x128xi32, #tpu.memory_space<hbm>>
      %dma_wait3A_692 = arith.constant 0 : i32
      %dma_wait3A_693 = tpu.memref_slice %arg3[%dma_wait3A_692, %mul3A_2] : memref<50x4096xi32, #tpu.memory_space<hbm>> -> memref<50x128xi32, #tpu.memory_space<hbm>>
      tpu.wait_dma2 semaphore(%run_scoped3A : memref<!tpu.dma_semaphore, #tpu.memory_space<semaphore_mem>>) src(%dma_wait3A_693 : memref<50x128xi32, #tpu.memory_space<hbm>>) dst(%arg5 : memref<50x128xi32, #tpu.memory_space<vmem>>)
      tpu.yield
    }) : () -> ()
    %dma_start3A = arith.constant 0 : i32
    %dma_start3A_3 = arith.constant 0 : i32
    %dma_start3A_4 = arith.constant 0 : i32
    %dma_start3A_5 = arith.constant 0 : i32
    %dma_start3A_6 = arith.constant 0 : i32
    %dma_start3A_7 = tpu.memref_slice %arg6[%dma_start3A_3, %dma_start3A_5, %dma_start3A_6] : memref<5x128x128xf32, #tpu.memory_space<vmem>> -> memref<1x128x128xf32, #tpu.memory_space<vmem>>
    %dma_start3A_8 = tpu.memref_squeeze %dma_start3A_7 : memref<1x128x128xf32, #tpu.memory_space<vmem>> -> memref<128x128xf32, #tpu.memory_space<vmem>>
    %dma_start3A_9 = arith.constant 0 : i32
    %dma_start3A_10 = tpu.memref_slice %arg5[%dma_start3A, %dma_start3A_9] : memref<50x128xi32, #tpu.memory_space<vmem>> -> memref<1x128xi32, #tpu.memory_space<vmem>>
    %dma_start3A_11 = tpu.memref_squeeze %dma_start3A_10 : memref<1x128xi32, #tpu.memory_space<vmem>> -> memref<128xi32, #tpu.memory_space<vmem>>
    %dma_start3A_12 = arith.constant 0 : i32
    %dma_start3A_13 = arith.constant 0 : i32
    %dma_start3A_14 = tpu.memref_slice %arg2[%dma_start3A_12, %dma_start3A_13] : memref<100000x128xf32, #tpu.memory_space<hbm>> -> memref<100000x128xf32, #tpu.memory_space<hbm>>
    %dma_start3A_15 = tpu.memref_slice %arg7[%dma_start3A_4] : memref<5x!tpu.dma_semaphore, #tpu.memory_space<semaphore_mem>> -> memref<1x!tpu.dma_semaphore, #tpu.memory_space<semaphore_mem>>
    %dma_start3A_16 = tpu.memref_squeeze %dma_start3A_15 : memref<1x!tpu.dma_semaphore, #tpu.memory_space<semaphore_mem>> -> memref<!tpu.dma_semaphore, #tpu.memory_space<semaphore_mem>>
    tpu.enqueue_indirect_dma source(%dma_start3A_14 : memref<100000x128xf32, #tpu.memory_space<hbm>>) target(%dma_start3A_8 : memref<128x128xf32, #tpu.memory_space<vmem>>) offsets(%dma_start3A_11 : memref<128xi32, #tpu.memory_space<vmem>>) semaphore(%dma_start3A_16 : memref<!tpu.dma_semaphore, #tpu.memory_space<semaphore_mem>>)
    %dma_start3A_17 = arith.constant 1 : i32
    %dma_start3A_18 = arith.constant 1 : i32
    %dma_start3A_19 = arith.constant 1 : i32
    %dma_start3A_20 = arith.constant 0 : i32
    %dma_start3A_21 = arith.constant 0 : i32
    %dma_start3A_22 = tpu.memref_slice %arg6[%dma_start3A_18, %dma_start3A_20, %dma_start3A_21] : memref<5x128x128xf32, #tpu.memory_space<vmem>> -> memref<1x128x128xf32, #tpu.memory_space<vmem>>
    %dma_start3A_23 = tpu.memref_squeeze %dma_start3A_22 : memref<1x128x128xf32, #tpu.memory_space<vmem>> -> memref<128x128xf32, #tpu.memory_space<vmem>>
    %dma_start3A_24 = arith.constant 0 : i32
    %dma_start3A_25 = tpu.memref_slice %arg5[%dma_start3A_17, %dma_start3A_24] : memref<50x128xi32, #tpu.memory_space<vmem>> -> memref<1x128xi32, #tpu.memory_space<vmem>>
    %dma_start3A_26 = tpu.memref_squeeze %dma_start3A_25 : memref<1x128xi32, #tpu.memory_space<vmem>> -> memref<128xi32, #tpu.memory_space<vmem>>
    %dma_start3A_27 = arith.constant 0 : i32
    %dma_start3A_28 = arith.constant 0 : i32
    %dma_start3A_29 = tpu.memref_slice %arg2[%dma_start3A_27, %dma_start3A_28] : memref<100000x128xf32, #tpu.memory_space<hbm>> -> memref<100000x128xf32, #tpu.memory_space<hbm>>
    %dma_start3A_30 = tpu.memref_slice %arg7[%dma_start3A_19] : memref<5x!tpu.dma_semaphore, #tpu.memory_space<semaphore_mem>> -> memref<1x!tpu.dma_semaphore, #tpu.memory_space<semaphore_mem>>
    %dma_start3A_31 = tpu.memref_squeeze %dma_start3A_30 : memref<1x!tpu.dma_semaphore, #tpu.memory_space<semaphore_mem>> -> memref<!tpu.dma_semaphore, #tpu.memory_space<semaphore_mem>>
    tpu.enqueue_indirect_dma source(%dma_start3A_29 : memref<100000x128xf32, #tpu.memory_space<hbm>>) target(%dma_start3A_23 : memref<128x128xf32, #tpu.memory_space<vmem>>) offsets(%dma_start3A_26 : memref<128xi32, #tpu.memory_space<vmem>>) semaphore(%dma_start3A_31 : memref<!tpu.dma_semaphore, #tpu.memory_space<semaphore_mem>>)
    %dma_start3A_32 = arith.constant 2 : i32
    %dma_start3A_33 = arith.constant 2 : i32
    %dma_start3A_34 = arith.constant 2 : i32
    %dma_start3A_35 = arith.constant 0 : i32
    %dma_start3A_36 = arith.constant 0 : i32
    %dma_start3A_37 = tpu.memref_slice %arg6[%dma_start3A_33, %dma_start3A_35, %dma_start3A_36] : memref<5x128x128xf32, #tpu.memory_space<vmem>> -> memref<1x128x128xf32, #tpu.memory_space<vmem>>
    %dma_start3A_38 = tpu.memref_squeeze %dma_start3A_37 : memref<1x128x128xf32, #tpu.memory_space<vmem>> -> memref<128x128xf32, #tpu.memory_space<vmem>>
    %dma_start3A_39 = arith.constant 0 : i32
    %dma_start3A_40 = tpu.memref_slice %arg5[%dma_start3A_32, %dma_start3A_39] : memref<50x128xi32, #tpu.memory_space<vmem>> -> memref<1x128xi32, #tpu.memory_space<vmem>>
    %dma_start3A_41 = tpu.memref_squeeze %dma_start3A_40 : memref<1x128xi32, #tpu.memory_space<vmem>> -> memref<128xi32, #tpu.memory_space<vmem>>
    %dma_start3A_42 = arith.constant 0 : i32
    %dma_start3A_43 = arith.constant 0 : i32
    %dma_start3A_44 = tpu.memref_slice %arg2[%dma_start3A_42, %dma_start3A_43] : memref<100000x128xf32, #tpu.memory_space<hbm>> -> memref<100000x128xf32, #tpu.memory_space<hbm>>
    %dma_start3A_45 = tpu.memref_slice %arg7[%dma_start3A_34] : memref<5x!tpu.dma_semaphore, #tpu.memory_space<semaphore_mem>> -> memref<1x!tpu.dma_semaphore, #tpu.memory_space<semaphore_mem>>
    %dma_start3A_46 = tpu.memref_squeeze %dma_start3A_45 : memref<1x!tpu.dma_semaphore, #tpu.memory_space<semaphore_mem>> -> memref<!tpu.dma_semaphore, #tpu.memory_space<semaphore_mem>>
    tpu.enqueue_indirect_dma source(%dma_start3A_44 : memref<100000x128xf32, #tpu.memory_space<hbm>>) target(%dma_start3A_38 : memref<128x128xf32, #tpu.memory_space<vmem>>) offsets(%dma_start3A_41 : memref<128xi32, #tpu.memory_space<vmem>>) semaphore(%dma_start3A_46 : memref<!tpu.dma_semaphore, #tpu.memory_space<semaphore_mem>>)
    %dma_start3A_47 = arith.constant 3 : i32
    %dma_start3A_48 = arith.constant 3 : i32
    %dma_start3A_49 = arith.constant 3 : i32
    %dma_start3A_50 = arith.constant 0 : i32
    %dma_start3A_51 = arith.constant 0 : i32
    %dma_start3A_52 = tpu.memref_slice %arg6[%dma_start3A_48, %dma_start3A_50, %dma_start3A_51] : memref<5x128x128xf32, #tpu.memory_space<vmem>> -> memref<1x128x128xf32, #tpu.memory_space<vmem>>
    %dma_start3A_53 = tpu.memref_squeeze %dma_start3A_52 : memref<1x128x128xf32, #tpu.memory_space<vmem>> -> memref<128x128xf32, #tpu.memory_space<vmem>>
    %dma_start3A_54 = arith.constant 0 : i32
    %dma_start3A_55 = tpu.memref_slice %arg5[%dma_start3A_47, %dma_start3A_54] : memref<50x128xi32, #tpu.memory_space<vmem>> -> memref<1x128xi32, #tpu.memory_space<vmem>>
    %dma_start3A_56 = tpu.memref_squeeze %dma_start3A_55 : memref<1x128xi32, #tpu.memory_space<vmem>> -> memref<128xi32, #tpu.memory_space<vmem>>
    %dma_start3A_57 = arith.constant 0 : i32
    %dma_start3A_58 = arith.constant 0 : i32
    %dma_start3A_59 = tpu.memref_slice %arg2[%dma_start3A_57, %dma_start3A_58] : memref<100000x128xf32, #tpu.memory_space<hbm>> -> memref<100000x128xf32, #tpu.memory_space<hbm>>
    %dma_start3A_60 = tpu.memref_slice %arg7[%dma_start3A_49] : memref<5x!tpu.dma_semaphore, #tpu.memory_space<semaphore_mem>> -> memref<1x!tpu.dma_semaphore, #tpu.memory_space<semaphore_mem>>
    %dma_start3A_61 = tpu.memref_squeeze %dma_start3A_60 : memref<1x!tpu.dma_semaphore, #tpu.memory_space<semaphore_mem>> -> memref<!tpu.dma_semaphore, #tpu.memory_space<semaphore_mem>>
    tpu.enqueue_indirect_dma source(%dma_start3A_59 : memref<100000x128xf32, #tpu.memory_space<hbm>>) target(%dma_start3A_53 : memref<128x128xf32, #tpu.memory_space<vmem>>) offsets(%dma_start3A_56 : memref<128xi32, #tpu.memory_space<vmem>>) semaphore(%dma_start3A_61 : memref<!tpu.dma_semaphore, #tpu.memory_space<semaphore_mem>>)
    %dma_wait3A = arith.constant 0 : i32
    %dma_wait3A_62 = arith.constant 0 : i32
    %dma_wait3A_63 = arith.constant 0 : i32
    %dma_wait3A_64 = arith.constant 0 : i32
    %dma_wait3A_65 = arith.constant 0 : i32
    %dma_wait3A_66 = tpu.memref_slice %arg6[%dma_wait3A_62, %dma_wait3A_64, %dma_wait3A_65] : memref<5x128x128xf32, #tpu.memory_space<vmem>> -> memref<1x128x128xf32, #tpu.memory_space<vmem>>
    %dma_wait3A_67 = tpu.memref_squeeze %dma_wait3A_66 : memref<1x128x128xf32, #tpu.memory_space<vmem>> -> memref<128x128xf32, #tpu.memory_space<vmem>>
    %dma_wait3A_68 = arith.constant 0 : i32
    %dma_wait3A_69 = tpu.memref_slice %arg5[%dma_wait3A, %dma_wait3A_68] : memref<50x128xi32, #tpu.memory_space<vmem>> -> memref<1x128xi32, #tpu.memory_space<vmem>>
    %dma_wait3A_70 = tpu.memref_squeeze %dma_wait3A_69 : memref<1x128xi32, #tpu.memory_space<vmem>> -> memref<128xi32, #tpu.memory_space<vmem>>
    %dma_wait3A_71 = arith.constant 0 : i32
    %dma_wait3A_72 = arith.constant 0 : i32
    %dma_wait3A_73 = tpu.memref_slice %arg2[%dma_wait3A_71, %dma_wait3A_72] : memref<100000x128xf32, #tpu.memory_space<hbm>> -> memref<100000x128xf32, #tpu.memory_space<hbm>>
    %dma_wait3A_74 = tpu.memref_slice %arg7[%dma_wait3A_63] : memref<5x!tpu.dma_semaphore, #tpu.memory_space<semaphore_mem>> -> memref<1x!tpu.dma_semaphore, #tpu.memory_space<semaphore_mem>>
    %dma_wait3A_75 = tpu.memref_squeeze %dma_wait3A_74 : memref<1x!tpu.dma_semaphore, #tpu.memory_space<semaphore_mem>> -> memref<!tpu.dma_semaphore, #tpu.memory_space<semaphore_mem>>
    tpu.wait_indirect_dma semaphore(%dma_wait3A_75 : memref<!tpu.dma_semaphore, #tpu.memory_space<semaphore_mem>>) src(%dma_wait3A_73 : memref<100000x128xf32, #tpu.memory_space<hbm>>) dst(%dma_wait3A_67 : memref<128x128xf32, #tpu.memory_space<vmem>>)
    %dma_start3A_76 = arith.constant 0 : i32
    %dma_start3A_77 = arith.constant 0 : i32
    %dma_start3A_78 = arith.constant 0 : i32
    %dma_start3A_79 = arith.constant 0 : i32
    %dma_start3A_80 = arith.constant 0 : i32
    %dma_start3A_81 = tpu.memref_slice %arg6[%dma_start3A_76, %dma_start3A_79, %dma_start3A_80] : memref<5x128x128xf32, #tpu.memory_space<vmem>> -> memref<1x128x128xf32, #tpu.memory_space<vmem>>
    %dma_start3A_82 = tpu.memref_squeeze %dma_start3A_81 : memref<1x128x128xf32, #tpu.memory_space<vmem>> -> memref<128x128xf32, #tpu.memory_space<vmem>>
    %dma_start3A_83 = arith.constant 0 : i32
    %dma_start3A_84 = tpu.memref_slice %arg4[%dma_start3A_77, %mul3A_2, %dma_start3A_83] : memref<50x4096x128xf32, #tpu.memory_space<hbm>> -> memref<1x128x128xf32, #tpu.memory_space<hbm>>
    %dma_start3A_85 = tpu.memref_squeeze %dma_start3A_84 : memref<1x128x128xf32, #tpu.memory_space<hbm>> -> memref<128x128xf32, #tpu.memory_space<hbm>>
    %dma_start3A_86 = tpu.memref_slice %arg8[%dma_start3A_78] : memref<5x!tpu.dma_semaphore, #tpu.memory_space<semaphore_mem>> -> memref<1x!tpu.dma_semaphore, #tpu.memory_space<semaphore_mem>>
    %dma_start3A_87 = tpu.memref_squeeze %dma_start3A_86 : memref<1x!tpu.dma_semaphore, #tpu.memory_space<semaphore_mem>> -> memref<!tpu.dma_semaphore, #tpu.memory_space<semaphore_mem>>
    %dma_start3A_88 = arith.constant 0 : i32
    %dma_start3A_89 = tpu.memref_slice %arg4[%dma_start3A_77, %mul3A_2, %dma_start3A_88] : memref<50x4096x128xf32, #tpu.memory_space<hbm>> -> memref<1x128x128xf32, #tpu.memory_space<hbm>>
    %dma_start3A_90 = tpu.memref_squeeze %dma_start3A_89 : memref<1x128x128xf32, #tpu.memory_space<hbm>> -> memref<128x128xf32, #tpu.memory_space<hbm>>
    %dma_start3A_91 = arith.constant 0 : i32
    %dma_start3A_92 = arith.constant 0 : i32
    %dma_start3A_93 = tpu.memref_slice %arg6[%dma_start3A_76, %dma_start3A_91, %dma_start3A_92] : memref<5x128x128xf32, #tpu.memory_space<vmem>> -> memref<1x128x128xf32, #tpu.memory_space<vmem>>
    %dma_start3A_94 = tpu.memref_squeeze %dma_start3A_93 : memref<1x128x128xf32, #tpu.memory_space<vmem>> -> memref<128x128xf32, #tpu.memory_space<vmem>>
    tpu.enqueue_dma source(%dma_start3A_94 : memref<128x128xf32, #tpu.memory_space<vmem>>) target(%dma_start3A_90 : memref<128x128xf32, #tpu.memory_space<hbm>>) target_semaphore(%dma_start3A_87 : memref<!tpu.dma_semaphore, #tpu.memory_space<semaphore_mem>>)
    %dma_start3A_95 = arith.constant 4 : i32
    %dma_start3A_96 = arith.constant 4 : i32
    %dma_start3A_97 = arith.constant 4 : i32
    %dma_start3A_98 = arith.constant 0 : i32
    %dma_start3A_99 = arith.constant 0 : i32
    %dma_start3A_100 = tpu.memref_slice %arg6[%dma_start3A_96, %dma_start3A_98, %dma_start3A_99] : memref<5x128x128xf32, #tpu.memory_space<vmem>> -> memref<1x128x128xf32, #tpu.memory_space<vmem>>
    %dma_start3A_101 = tpu.memref_squeeze %dma_start3A_100 : memref<1x128x128xf32, #tpu.memory_space<vmem>> -> memref<128x128xf32, #tpu.memory_space<vmem>>
    %dma_start3A_102 = arith.constant 0 : i32
    %dma_start3A_103 = tpu.memref_slice %arg5[%dma_start3A_95, %dma_start3A_102] : memref<50x128xi32, #tpu.memory_space<vmem>> -> memref<1x128xi32, #tpu.memory_space<vmem>>
    %dma_start3A_104 = tpu.memref_squeeze %dma_start3A_103 : memref<1x128xi32, #tpu.memory_space<vmem>> -> memref<128xi32, #tpu.memory_space<vmem>>
    %dma_start3A_105 = arith.constant 0 : i32
    %dma_start3A_106 = arith.constant 0 : i32
    %dma_start3A_107 = tpu.memref_slice %arg2[%dma_start3A_105, %dma_start3A_106] : memref<100000x128xf32, #tpu.memory_space<hbm>> -> memref<100000x128xf32, #tpu.memory_space<hbm>>
    %dma_start3A_108 = tpu.memref_slice %arg7[%dma_start3A_97] : memref<5x!tpu.dma_semaphore, #tpu.memory_space<semaphore_mem>> -> memref<1x!tpu.dma_semaphore, #tpu.memory_space<semaphore_mem>>
    %dma_start3A_109 = tpu.memref_squeeze %dma_start3A_108 : memref<1x!tpu.dma_semaphore, #tpu.memory_space<semaphore_mem>> -> memref<!tpu.dma_semaphore, #tpu.memory_space<semaphore_mem>>
    tpu.enqueue_indirect_dma source(%dma_start3A_107 : memref<100000x128xf32, #tpu.memory_space<hbm>>) target(%dma_start3A_101 : memref<128x128xf32, #tpu.memory_space<vmem>>) offsets(%dma_start3A_104 : memref<128xi32, #tpu.memory_space<vmem>>) semaphore(%dma_start3A_109 : memref<!tpu.dma_semaphore, #tpu.memory_space<semaphore_mem>>)
    %dma_wait3A_110 = arith.constant 0 : i32
    %dma_wait3A_111 = arith.constant 1 : i32
    %dma_wait3A_112 = arith.constant 1 : i32
    %dma_wait3A_113 = arith.constant 0 : i32
    %dma_wait3A_114 = arith.constant 0 : i32
    %dma_wait3A_115 = tpu.memref_slice %arg6[%dma_wait3A_111, %dma_wait3A_113, %dma_wait3A_114] : memref<5x128x128xf32, #tpu.memory_space<vmem>> -> memref<1x128x128xf32, #tpu.memory_space<vmem>>
    %dma_wait3A_116 = tpu.memref_squeeze %dma_wait3A_115 : memref<1x128x128xf32, #tpu.memory_space<vmem>> -> memref<128x128xf32, #tpu.memory_space<vmem>>
    %dma_wait3A_117 = arith.constant 0 : i32
    %dma_wait3A_118 = tpu.memref_slice %arg5[%dma_wait3A_110, %dma_wait3A_117] : memref<50x128xi32, #tpu.memory_space<vmem>> -> memref<1x128xi32, #tpu.memory_space<vmem>>
    %dma_wait3A_119 = tpu.memref_squeeze %dma_wait3A_118 : memref<1x128xi32, #tpu.memory_space<vmem>> -> memref<128xi32, #tpu.memory_space<vmem>>
    %dma_wait3A_120 = arith.constant 0 : i32
    %dma_wait3A_121 = arith.constant 0 : i32
    %dma_wait3A_122 = tpu.memref_slice %arg2[%dma_wait3A_120, %dma_wait3A_121] : memref<100000x128xf32, #tpu.memory_space<hbm>> -> memref<100000x128xf32, #tpu.memory_space<hbm>>
    %dma_wait3A_123 = tpu.memref_slice %arg7[%dma_wait3A_112] : memref<5x!tpu.dma_semaphore, #tpu.memory_space<semaphore_mem>> -> memref<1x!tpu.dma_semaphore, #tpu.memory_space<semaphore_mem>>
    %dma_wait3A_124 = tpu.memref_squeeze %dma_wait3A_123 : memref<1x!tpu.dma_semaphore, #tpu.memory_space<semaphore_mem>> -> memref<!tpu.dma_semaphore, #tpu.memory_space<semaphore_mem>>
    tpu.wait_indirect_dma semaphore(%dma_wait3A_124 : memref<!tpu.dma_semaphore, #tpu.memory_space<semaphore_mem>>) src(%dma_wait3A_122 : memref<100000x128xf32, #tpu.memory_space<hbm>>) dst(%dma_wait3A_116 : memref<128x128xf32, #tpu.memory_space<vmem>>)
    %dma_start3A_125 = arith.constant 1 : i32
    %dma_start3A_126 = arith.constant 1 : i32
    %dma_start3A_127 = arith.constant 1 : i32
    %dma_start3A_128 = arith.constant 0 : i32
    %dma_start3A_129 = arith.constant 0 : i32
    %dma_start3A_130 = tpu.memref_slice %arg6[%dma_start3A_125, %dma_start3A_128, %dma_start3A_129] : memref<5x128x128xf32, #tpu.memory_space<vmem>> -> memref<1x128x128xf32, #tpu.memory_space<vmem>>
    %dma_start3A_131 = tpu.memref_squeeze %dma_start3A_130 : memref<1x128x128xf32, #tpu.memory_space<vmem>> -> memref<128x128xf32, #tpu.memory_space<vmem>>
    %dma_start3A_132 = arith.constant 0 : i32
    %dma_start3A_133 = tpu.memref_slice %arg4[%dma_start3A_126, %mul3A_2, %dma_start3A_132] : memref<50x4096x128xf32, #tpu.memory_space<hbm>> -> memref<1x128x128xf32, #tpu.memory_space<hbm>>
    %dma_start3A_134 = tpu.memref_squeeze %dma_start3A_133 : memref<1x128x128xf32, #tpu.memory_space<hbm>> -> memref<128x128xf32, #tpu.memory_space<hbm>>
    %dma_start3A_135 = tpu.memref_slice %arg8[%dma_start3A_127] : memref<5x!tpu.dma_semaphore, #tpu.memory_space<semaphore_mem>> -> memref<1x!tpu.dma_semaphore, #tpu.memory_space<semaphore_mem>>
    %dma_start3A_136 = tpu.memref_squeeze %dma_start3A_135 : memref<1x!tpu.dma_semaphore, #tpu.memory_space<semaphore_mem>> -> memref<!tpu.dma_semaphore, #tpu.memory_space<semaphore_mem>>
    %dma_start3A_137 = arith.constant 0 : i32
    %dma_start3A_138 = tpu.memref_slice %arg4[%dma_start3A_126, %mul3A_2, %dma_start3A_137] : memref<50x4096x128xf32, #tpu.memory_space<hbm>> -> memref<1x128x128xf32, #tpu.memory_space<hbm>>
    %dma_start3A_139 = tpu.memref_squeeze %dma_start3A_138 : memref<1x128x128xf32, #tpu.memory_space<hbm>> -> memref<128x128xf32, #tpu.memory_space<hbm>>
    %dma_start3A_140 = arith.constant 0 : i32
    %dma_start3A_141 = arith.constant 0 : i32
    %dma_start3A_142 = tpu.memref_slice %arg6[%dma_start3A_125, %dma_start3A_140, %dma_start3A_141] : memref<5x128x128xf32, #tpu.memory_space<vmem>> -> memref<1x128x128xf32, #tpu.memory_space<vmem>>
    %dma_start3A_143 = tpu.memref_squeeze %dma_start3A_142 : memref<1x128x128xf32, #tpu.memory_space<vmem>> -> memref<128x128xf32, #tpu.memory_space<vmem>>
    tpu.enqueue_dma source(%dma_start3A_143 : memref<128x128xf32, #tpu.memory_space<vmem>>) target(%dma_start3A_139 : memref<128x128xf32, #tpu.memory_space<hbm>>) target_semaphore(%dma_start3A_136 : memref<!tpu.dma_semaphore, #tpu.memory_space<semaphore_mem>>)
    %dma_wait3A_144 = arith.constant 0 : i32
    %dma_wait3A_145 = arith.constant 0 : i32
    %dma_wait3A_146 = arith.constant 0 : i32
    %dma_wait3A_147 = arith.constant 0 : i32
    %dma_wait3A_148 = arith.constant 0 : i32
    %dma_wait3A_149 = tpu.memref_slice %arg6[%dma_wait3A_144, %dma_wait3A_147, %dma_wait3A_148] : memref<5x128x128xf32, #tpu.memory_space<vmem>> -> memref<1x128x128xf32, #tpu.memory_space<vmem>>
    %dma_wait3A_150 = tpu.memref_squeeze %dma_wait3A_149 : memref<1x128x128xf32, #tpu.memory_space<vmem>> -> memref<128x128xf32, #tpu.memory_space<vmem>>
    %dma_wait3A_151 = arith.constant 0 : i32
    %dma_wait3A_152 = tpu.memref_slice %arg4[%dma_wait3A_145, %mul3A_2, %dma_wait3A_151] : memref<50x4096x128xf32, #tpu.memory_space<hbm>> -> memref<1x128x128xf32, #tpu.memory_space<hbm>>
    %dma_wait3A_153 = tpu.memref_squeeze %dma_wait3A_152 : memref<1x128x128xf32, #tpu.memory_space<hbm>> -> memref<128x128xf32, #tpu.memory_space<hbm>>
    %dma_wait3A_154 = tpu.memref_slice %arg8[%dma_wait3A_146] : memref<5x!tpu.dma_semaphore, #tpu.memory_space<semaphore_mem>> -> memref<1x!tpu.dma_semaphore, #tpu.memory_space<semaphore_mem>>
    %dma_wait3A_155 = tpu.memref_squeeze %dma_wait3A_154 : memref<1x!tpu.dma_semaphore, #tpu.memory_space<semaphore_mem>> -> memref<!tpu.dma_semaphore, #tpu.memory_space<semaphore_mem>>
    %dma_wait3A_156 = arith.constant 0 : i32
    %dma_wait3A_157 = tpu.memref_slice %arg4[%dma_wait3A_145, %mul3A_2, %dma_wait3A_156] : memref<50x4096x128xf32, #tpu.memory_space<hbm>> -> memref<1x128x128xf32, #tpu.memory_space<hbm>>
    %dma_wait3A_158 = tpu.memref_squeeze %dma_wait3A_157 : memref<1x128x128xf32, #tpu.memory_space<hbm>> -> memref<128x128xf32, #tpu.memory_space<hbm>>
    %dma_wait3A_159 = arith.constant 0 : i32
    %dma_wait3A_160 = arith.constant 0 : i32
    %dma_wait3A_161 = tpu.memref_slice %arg6[%dma_wait3A_144, %dma_wait3A_159, %dma_wait3A_160] : memref<5x128x128xf32, #tpu.memory_space<vmem>> -> memref<1x128x128xf32, #tpu.memory_space<vmem>>
    %dma_wait3A_162 = tpu.memref_squeeze %dma_wait3A_161 : memref<1x128x128xf32, #tpu.memory_space<vmem>> -> memref<128x128xf32, #tpu.memory_space<vmem>>
    tpu.wait_dma2 semaphore(%dma_wait3A_155 : memref<!tpu.dma_semaphore, #tpu.memory_space<semaphore_mem>>) src(%dma_wait3A_162 : memref<128x128xf32, #tpu.memory_space<vmem>>) dst(%dma_wait3A_158 : memref<128x128xf32, #tpu.memory_space<hbm>>)
    %dma_start3A_163 = arith.constant 5 : i32
    %dma_start3A_164 = arith.constant 0 : i32
    %dma_start3A_165 = arith.constant 0 : i32
    %dma_start3A_166 = arith.constant 0 : i32
    %dma_start3A_167 = arith.constant 0 : i32
    %dma_start3A_168 = tpu.memref_slice %arg6[%dma_start3A_164, %dma_start3A_166, %dma_start3A_167] : memref<5x128x128xf32, #tpu.memory_space<vmem>> -> memref<1x128x128xf32, #tpu.memory_space<vmem>>
    %dma_start3A_169 = tpu.memref_squeeze %dma_start3A_168 : memref<1x128x128xf32, #tpu.memory_space<vmem>> -> memref<128x128xf32, #tpu.memory_space<vmem>>
    %dma_start3A_170 = arith.constant 0 : i32
    %dma_start3A_171 = tpu.memref_slice %arg5[%dma_start3A_163, %dma_start3A_170] : memref<50x128xi32, #tpu.memory_space<vmem>> -> memref<1x128xi32, #tpu.memory_space<vmem>>
    %dma_start3A_172 = tpu.memref_squeeze %dma_start3A_171 : memref<1x128xi32, #tpu.memory_space<vmem>> -> memref<128xi32, #tpu.memory_space<vmem>>
    %dma_start3A_173 = arith.constant 0 : i32
    %dma_start3A_174 = arith.constant 0 : i32
    %dma_start3A_175 = tpu.memref_slice %arg2[%dma_start3A_173, %dma_start3A_174] : memref<100000x128xf32, #tpu.memory_space<hbm>> -> memref<100000x128xf32, #tpu.memory_space<hbm>>
    %dma_start3A_176 = tpu.memref_slice %arg7[%dma_start3A_165] : memref<5x!tpu.dma_semaphore, #tpu.memory_space<semaphore_mem>> -> memref<1x!tpu.dma_semaphore, #tpu.memory_space<semaphore_mem>>
    %dma_start3A_177 = tpu.memref_squeeze %dma_start3A_176 : memref<1x!tpu.dma_semaphore, #tpu.memory_space<semaphore_mem>> -> memref<!tpu.dma_semaphore, #tpu.memory_space<semaphore_mem>>
    tpu.enqueue_indirect_dma source(%dma_start3A_175 : memref<100000x128xf32, #tpu.memory_space<hbm>>) target(%dma_start3A_169 : memref<128x128xf32, #tpu.memory_space<vmem>>) offsets(%dma_start3A_172 : memref<128xi32, #tpu.memory_space<vmem>>) semaphore(%dma_start3A_177 : memref<!tpu.dma_semaphore, #tpu.memory_space<semaphore_mem>>)
    %dma_wait3A_178 = arith.constant 0 : i32
    %dma_wait3A_179 = arith.constant 2 : i32
    %dma_wait3A_180 = arith.constant 2 : i32
    %dma_wait3A_181 = arith.constant 0 : i32
    %dma_wait3A_182 = arith.constant 0 : i32
    %dma_wait3A_183 = tpu.memref_slice %arg6[%dma_wait3A_179, %dma_wait3A_181, %dma_wait3A_182] : memref<5x128x128xf32, #tpu.memory_space<vmem>> -> memref<1x128x128xf32, #tpu.memory_space<vmem>>
    %dma_wait3A_184 = tpu.memref_squeeze %dma_wait3A_183 : memref<1x128x128xf32, #tpu.memory_space<vmem>> -> memref<128x128xf32, #tpu.memory_space<vmem>>
    %dma_wait3A_185 = arith.constant 0 : i32
    %dma_wait3A_186 = tpu.memref_slice %arg5[%dma_wait3A_178, %dma_wait3A_185] : memref<50x128xi32, #tpu.memory_space<vmem>> -> memref<1x128xi32, #tpu.memory_space<vmem>>
    %dma_wait3A_187 = tpu.memref_squeeze %dma_wait3A_186 : memref<1x128xi32, #tpu.memory_space<vmem>> -> memref<128xi32, #tpu.memory_space<vmem>>
    %dma_wait3A_188 = arith.constant 0 : i32
    %dma_wait3A_189 = arith.constant 0 : i32
    %dma_wait3A_190 = tpu.memref_slice %arg2[%dma_wait3A_188, %dma_wait3A_189] : memref<100000x128xf32, #tpu.memory_space<hbm>> -> memref<100000x128xf32, #tpu.memory_space<hbm>>
    %dma_wait3A_191 = tpu.memref_slice %arg7[%dma_wait3A_180] : memref<5x!tpu.dma_semaphore, #tpu.memory_space<semaphore_mem>> -> memref<1x!tpu.dma_semaphore, #tpu.memory_space<semaphore_mem>>
    %dma_wait3A_192 = tpu.memref_squeeze %dma_wait3A_191 : memref<1x!tpu.dma_semaphore, #tpu.memory_space<semaphore_mem>> -> memref<!tpu.dma_semaphore, #tpu.memory_space<semaphore_mem>>
    tpu.wait_indirect_dma semaphore(%dma_wait3A_192 : memref<!tpu.dma_semaphore, #tpu.memory_space<semaphore_mem>>) src(%dma_wait3A_190 : memref<100000x128xf32, #tpu.memory_space<hbm>>) dst(%dma_wait3A_184 : memref<128x128xf32, #tpu.memory_space<vmem>>)
    %dma_start3A_193 = arith.constant 2 : i32
    %dma_start3A_194 = arith.constant 2 : i32
    %dma_start3A_195 = arith.constant 2 : i32
    %dma_start3A_196 = arith.constant 0 : i32
    %dma_start3A_197 = arith.constant 0 : i32
    %dma_start3A_198 = tpu.memref_slice %arg6[%dma_start3A_193, %dma_start3A_196, %dma_start3A_197] : memref<5x128x128xf32, #tpu.memory_space<vmem>> -> memref<1x128x128xf32, #tpu.memory_space<vmem>>
    %dma_start3A_199 = tpu.memref_squeeze %dma_start3A_198 : memref<1x128x128xf32, #tpu.memory_space<vmem>> -> memref<128x128xf32, #tpu.memory_space<vmem>>
    %dma_start3A_200 = arith.constant 0 : i32
    %dma_start3A_201 = tpu.memref_slice %arg4[%dma_start3A_194, %mul3A_2, %dma_start3A_200] : memref<50x4096x128xf32, #tpu.memory_space<hbm>> -> memref<1x128x128xf32, #tpu.memory_space<hbm>>
    %dma_start3A_202 = tpu.memref_squeeze %dma_start3A_201 : memref<1x128x128xf32, #tpu.memory_space<hbm>> -> memref<128x128xf32, #tpu.memory_space<hbm>>
    %dma_start3A_203 = tpu.memref_slice %arg8[%dma_start3A_195] : memref<5x!tpu.dma_semaphore, #tpu.memory_space<semaphore_mem>> -> memref<1x!tpu.dma_semaphore, #tpu.memory_space<semaphore_mem>>
    %dma_start3A_204 = tpu.memref_squeeze %dma_start3A_203 : memref<1x!tpu.dma_semaphore, #tpu.memory_space<semaphore_mem>> -> memref<!tpu.dma_semaphore, #tpu.memory_space<semaphore_mem>>
    %dma_start3A_205 = arith.constant 0 : i32
    %dma_start3A_206 = tpu.memref_slice %arg4[%dma_start3A_194, %mul3A_2, %dma_start3A_205] : memref<50x4096x128xf32, #tpu.memory_space<hbm>> -> memref<1x128x128xf32, #tpu.memory_space<hbm>>
    %dma_start3A_207 = tpu.memref_squeeze %dma_start3A_206 : memref<1x128x128xf32, #tpu.memory_space<hbm>> -> memref<128x128xf32, #tpu.memory_space<hbm>>
    %dma_start3A_208 = arith.constant 0 : i32
    %dma_start3A_209 = arith.constant 0 : i32
    %dma_start3A_210 = tpu.memref_slice %arg6[%dma_start3A_193, %dma_start3A_208, %dma_start3A_209] : memref<5x128x128xf32, #tpu.memory_space<vmem>> -> memref<1x128x128xf32, #tpu.memory_space<vmem>>
    %dma_start3A_211 = tpu.memref_squeeze %dma_start3A_210 : memref<1x128x128xf32, #tpu.memory_space<vmem>> -> memref<128x128xf32, #tpu.memory_space<vmem>>
    tpu.enqueue_dma source(%dma_start3A_211 : memref<128x128xf32, #tpu.memory_space<vmem>>) target(%dma_start3A_207 : memref<128x128xf32, #tpu.memory_space<hbm>>) target_semaphore(%dma_start3A_204 : memref<!tpu.dma_semaphore, #tpu.memory_space<semaphore_mem>>)
    %dma_wait3A_212 = arith.constant 1 : i32
    %dma_wait3A_213 = arith.constant 0 : i32
    %dma_wait3A_214 = arith.constant 1 : i32
    %dma_wait3A_215 = arith.constant 0 : i32
    %dma_wait3A_216 = arith.constant 0 : i32
    %dma_wait3A_217 = tpu.memref_slice %arg6[%dma_wait3A_212, %dma_wait3A_215, %dma_wait3A_216] : memref<5x128x128xf32, #tpu.memory_space<vmem>> -> memref<1x128x128xf32, #tpu.memory_space<vmem>>
    %dma_wait3A_218 = tpu.memref_squeeze %dma_wait3A_217 : memref<1x128x128xf32, #tpu.memory_space<vmem>> -> memref<128x128xf32, #tpu.memory_space<vmem>>
    %dma_wait3A_219 = arith.constant 0 : i32
    %dma_wait3A_220 = tpu.memref_slice %arg4[%dma_wait3A_213, %mul3A_2, %dma_wait3A_219] : memref<50x4096x128xf32, #tpu.memory_space<hbm>> -> memref<1x128x128xf32, #tpu.memory_space<hbm>>
    %dma_wait3A_221 = tpu.memref_squeeze %dma_wait3A_220 : memref<1x128x128xf32, #tpu.memory_space<hbm>> -> memref<128x128xf32, #tpu.memory_space<hbm>>
    %dma_wait3A_222 = tpu.memref_slice %arg8[%dma_wait3A_214] : memref<5x!tpu.dma_semaphore, #tpu.memory_space<semaphore_mem>> -> memref<1x!tpu.dma_semaphore, #tpu.memory_space<semaphore_mem>>
    %dma_wait3A_223 = tpu.memref_squeeze %dma_wait3A_222 : memref<1x!tpu.dma_semaphore, #tpu.memory_space<semaphore_mem>> -> memref<!tpu.dma_semaphore, #tpu.memory_space<semaphore_mem>>
    %dma_wait3A_224 = arith.constant 0 : i32
    %dma_wait3A_225 = tpu.memref_slice %arg4[%dma_wait3A_213, %mul3A_2, %dma_wait3A_224] : memref<50x4096x128xf32, #tpu.memory_space<hbm>> -> memref<1x128x128xf32, #tpu.memory_space<hbm>>
    %dma_wait3A_226 = tpu.memref_squeeze %dma_wait3A_225 : memref<1x128x128xf32, #tpu.memory_space<hbm>> -> memref<128x128xf32, #tpu.memory_space<hbm>>
    %dma_wait3A_227 = arith.constant 0 : i32
    %dma_wait3A_228 = arith.constant 0 : i32
    %dma_wait3A_229 = tpu.memref_slice %arg6[%dma_wait3A_212, %dma_wait3A_227, %dma_wait3A_228] : memref<5x128x128xf32, #tpu.memory_space<vmem>> -> memref<1x128x128xf32, #tpu.memory_space<vmem>>
    %dma_wait3A_230 = tpu.memref_squeeze %dma_wait3A_229 : memref<1x128x128xf32, #tpu.memory_space<vmem>> -> memref<128x128xf32, #tpu.memory_space<vmem>>
    tpu.wait_dma2 semaphore(%dma_wait3A_223 : memref<!tpu.dma_semaphore, #tpu.memory_space<semaphore_mem>>) src(%dma_wait3A_230 : memref<128x128xf32, #tpu.memory_space<vmem>>) dst(%dma_wait3A_226 : memref<128x128xf32, #tpu.memory_space<hbm>>)
    %dma_start3A_231 = arith.constant 6 : i32
    %dma_start3A_232 = arith.constant 1 : i32
    %dma_start3A_233 = arith.constant 1 : i32
    %dma_start3A_234 = arith.constant 0 : i32
    %dma_start3A_235 = arith.constant 0 : i32
    %dma_start3A_236 = tpu.memref_slice %arg6[%dma_start3A_232, %dma_start3A_234, %dma_start3A_235] : memref<5x128x128xf32, #tpu.memory_space<vmem>> -> memref<1x128x128xf32, #tpu.memory_space<vmem>>
    %dma_start3A_237 = tpu.memref_squeeze %dma_start3A_236 : memref<1x128x128xf32, #tpu.memory_space<vmem>> -> memref<128x128xf32, #tpu.memory_space<vmem>>
    %dma_start3A_238 = arith.constant 0 : i32
    %dma_start3A_239 = tpu.memref_slice %arg5[%dma_start3A_231, %dma_start3A_238] : memref<50x128xi32, #tpu.memory_space<vmem>> -> memref<1x128xi32, #tpu.memory_space<vmem>>
    %dma_start3A_240 = tpu.memref_squeeze %dma_start3A_239 : memref<1x128xi32, #tpu.memory_space<vmem>> -> memref<128xi32, #tpu.memory_space<vmem>>
    %dma_start3A_241 = arith.constant 0 : i32
    %dma_start3A_242 = arith.constant 0 : i32
    %dma_start3A_243 = tpu.memref_slice %arg2[%dma_start3A_241, %dma_start3A_242] : memref<100000x128xf32, #tpu.memory_space<hbm>> -> memref<100000x128xf32, #tpu.memory_space<hbm>>
    %dma_start3A_244 = tpu.memref_slice %arg7[%dma_start3A_233] : memref<5x!tpu.dma_semaphore, #tpu.memory_space<semaphore_mem>> -> memref<1x!tpu.dma_semaphore, #tpu.memory_space<semaphore_mem>>
    %dma_start3A_245 = tpu.memref_squeeze %dma_start3A_244 : memref<1x!tpu.dma_semaphore, #tpu.memory_space<semaphore_mem>> -> memref<!tpu.dma_semaphore, #tpu.memory_space<semaphore_mem>>
    tpu.enqueue_indirect_dma source(%dma_start3A_243 : memref<100000x128xf32, #tpu.memory_space<hbm>>) target(%dma_start3A_237 : memref<128x128xf32, #tpu.memory_space<vmem>>) offsets(%dma_start3A_240 : memref<128xi32, #tpu.memory_space<vmem>>) semaphore(%dma_start3A_245 : memref<!tpu.dma_semaphore, #tpu.memory_space<semaphore_mem>>)
    %dma_wait3A_246 = arith.constant 0 : i32
    %dma_wait3A_247 = arith.constant 3 : i32
    %dma_wait3A_248 = arith.constant 3 : i32
    %dma_wait3A_249 = arith.constant 0 : i32
    %dma_wait3A_250 = arith.constant 0 : i32
    %dma_wait3A_251 = tpu.memref_slice %arg6[%dma_wait3A_247, %dma_wait3A_249, %dma_wait3A_250] : memref<5x128x128xf32, #tpu.memory_space<vmem>> -> memref<1x128x128xf32, #tpu.memory_space<vmem>>
    %dma_wait3A_252 = tpu.memref_squeeze %dma_wait3A_251 : memref<1x128x128xf32, #tpu.memory_space<vmem>> -> memref<128x128xf32, #tpu.memory_space<vmem>>
    %dma_wait3A_253 = arith.constant 0 : i32
    %dma_wait3A_254 = tpu.memref_slice %arg5[%dma_wait3A_246, %dma_wait3A_253] : memref<50x128xi32, #tpu.memory_space<vmem>> -> memref<1x128xi32, #tpu.memory_space<vmem>>
    %dma_wait3A_255 = tpu.memref_squeeze %dma_wait3A_254 : memref<1x128xi32, #tpu.memory_space<vmem>> -> memref<128xi32, #tpu.memory_space<vmem>>
    %dma_wait3A_256 = arith.constant 0 : i32
    %dma_wait3A_257 = arith.constant 0 : i32
    %dma_wait3A_258 = tpu.memref_slice %arg2[%dma_wait3A_256, %dma_wait3A_257] : memref<100000x128xf32, #tpu.memory_space<hbm>> -> memref<100000x128xf32, #tpu.memory_space<hbm>>
    %dma_wait3A_259 = tpu.memref_slice %arg7[%dma_wait3A_248] : memref<5x!tpu.dma_semaphore, #tpu.memory_space<semaphore_mem>> -> memref<1x!tpu.dma_semaphore, #tpu.memory_space<semaphore_mem>>
    %dma_wait3A_260 = tpu.memref_squeeze %dma_wait3A_259 : memref<1x!tpu.dma_semaphore, #tpu.memory_space<semaphore_mem>> -> memref<!tpu.dma_semaphore, #tpu.memory_space<semaphore_mem>>
    tpu.wait_indirect_dma semaphore(%dma_wait3A_260 : memref<!tpu.dma_semaphore, #tpu.memory_space<semaphore_mem>>) src(%dma_wait3A_258 : memref<100000x128xf32, #tpu.memory_space<hbm>>) dst(%dma_wait3A_252 : memref<128x128xf32, #tpu.memory_space<vmem>>)
    %dma_start3A_261 = arith.constant 3 : i32
    %dma_start3A_262 = arith.constant 3 : i32
    %dma_start3A_263 = arith.constant 3 : i32
    %dma_start3A_264 = arith.constant 0 : i32
    %dma_start3A_265 = arith.constant 0 : i32
    %dma_start3A_266 = tpu.memref_slice %arg6[%dma_start3A_261, %dma_start3A_264, %dma_start3A_265] : memref<5x128x128xf32, #tpu.memory_space<vmem>> -> memref<1x128x128xf32, #tpu.memory_space<vmem>>
    %dma_start3A_267 = tpu.memref_squeeze %dma_start3A_266 : memref<1x128x128xf32, #tpu.memory_space<vmem>> -> memref<128x128xf32, #tpu.memory_space<vmem>>
    %dma_start3A_268 = arith.constant 0 : i32
    %dma_start3A_269 = tpu.memref_slice %arg4[%dma_start3A_262, %mul3A_2, %dma_start3A_268] : memref<50x4096x128xf32, #tpu.memory_space<hbm>> -> memref<1x128x128xf32, #tpu.memory_space<hbm>>
    %dma_start3A_270 = tpu.memref_squeeze %dma_start3A_269 : memref<1x128x128xf32, #tpu.memory_space<hbm>> -> memref<128x128xf32, #tpu.memory_space<hbm>>
    %dma_start3A_271 = tpu.memref_slice %arg8[%dma_start3A_263] : memref<5x!tpu.dma_semaphore, #tpu.memory_space<semaphore_mem>> -> memref<1x!tpu.dma_semaphore, #tpu.memory_space<semaphore_mem>>
    %dma_start3A_272 = tpu.memref_squeeze %dma_start3A_271 : memref<1x!tpu.dma_semaphore, #tpu.memory_space<semaphore_mem>> -> memref<!tpu.dma_semaphore, #tpu.memory_space<semaphore_mem>>
    %dma_start3A_273 = arith.constant 0 : i32
    %dma_start3A_274 = tpu.memref_slice %arg4[%dma_start3A_262, %mul3A_2, %dma_start3A_273] : memref<50x4096x128xf32, #tpu.memory_space<hbm>> -> memref<1x128x128xf32, #tpu.memory_space<hbm>>
    %dma_start3A_275 = tpu.memref_squeeze %dma_start3A_274 : memref<1x128x128xf32, #tpu.memory_space<hbm>> -> memref<128x128xf32, #tpu.memory_space<hbm>>
    %dma_start3A_276 = arith.constant 0 : i32
    %dma_start3A_277 = arith.constant 0 : i32
    %dma_start3A_278 = tpu.memref_slice %arg6[%dma_start3A_261, %dma_start3A_276, %dma_start3A_277] : memref<5x128x128xf32, #tpu.memory_space<vmem>> -> memref<1x128x128xf32, #tpu.memory_space<vmem>>
    %dma_start3A_279 = tpu.memref_squeeze %dma_start3A_278 : memref<1x128x128xf32, #tpu.memory_space<vmem>> -> memref<128x128xf32, #tpu.memory_space<vmem>>
    tpu.enqueue_dma source(%dma_start3A_279 : memref<128x128xf32, #tpu.memory_space<vmem>>) target(%dma_start3A_275 : memref<128x128xf32, #tpu.memory_space<hbm>>) target_semaphore(%dma_start3A_272 : memref<!tpu.dma_semaphore, #tpu.memory_space<semaphore_mem>>)
    %dma_wait3A_280 = arith.constant 2 : i32
    %dma_wait3A_281 = arith.constant 0 : i32
    %dma_wait3A_282 = arith.constant 2 : i32
    %dma_wait3A_283 = arith.constant 0 : i32
    %dma_wait3A_284 = arith.constant 0 : i32
    %dma_wait3A_285 = tpu.memref_slice %arg6[%dma_wait3A_280, %dma_wait3A_283, %dma_wait3A_284] : memref<5x128x128xf32, #tpu.memory_space<vmem>> -> memref<1x128x128xf32, #tpu.memory_space<vmem>>
    %dma_wait3A_286 = tpu.memref_squeeze %dma_wait3A_285 : memref<1x128x128xf32, #tpu.memory_space<vmem>> -> memref<128x128xf32, #tpu.memory_space<vmem>>
    %dma_wait3A_287 = arith.constant 0 : i32
    %dma_wait3A_288 = tpu.memref_slice %arg4[%dma_wait3A_281, %mul3A_2, %dma_wait3A_287] : memref<50x4096x128xf32, #tpu.memory_space<hbm>> -> memref<1x128x128xf32, #tpu.memory_space<hbm>>
    %dma_wait3A_289 = tpu.memref_squeeze %dma_wait3A_288 : memref<1x128x128xf32, #tpu.memory_space<hbm>> -> memref<128x128xf32, #tpu.memory_space<hbm>>
    %dma_wait3A_290 = tpu.memref_slice %arg8[%dma_wait3A_282] : memref<5x!tpu.dma_semaphore, #tpu.memory_space<semaphore_mem>> -> memref<1x!tpu.dma_semaphore, #tpu.memory_space<semaphore_mem>>
    %dma_wait3A_291 = tpu.memref_squeeze %dma_wait3A_290 : memref<1x!tpu.dma_semaphore, #tpu.memory_space<semaphore_mem>> -> memref<!tpu.dma_semaphore, #tpu.memory_space<semaphore_mem>>
    %dma_wait3A_292 = arith.constant 0 : i32
    %dma_wait3A_293 = tpu.memref_slice %arg4[%dma_wait3A_281, %mul3A_2, %dma_wait3A_292] : memref<50x4096x128xf32, #tpu.memory_space<hbm>> -> memref<1x128x128xf32, #tpu.memory_space<hbm>>
    %dma_wait3A_294 = tpu.memref_squeeze %dma_wait3A_293 : memref<1x128x128xf32, #tpu.memory_space<hbm>> -> memref<128x128xf32, #tpu.memory_space<hbm>>
    %dma_wait3A_295 = arith.constant 0 : i32
    %dma_wait3A_296 = arith.constant 0 : i32
    %dma_wait3A_297 = tpu.memref_slice %arg6[%dma_wait3A_280, %dma_wait3A_295, %dma_wait3A_296] : memref<5x128x128xf32, #tpu.memory_space<vmem>> -> memref<1x128x128xf32, #tpu.memory_space<vmem>>
    %dma_wait3A_298 = tpu.memref_squeeze %dma_wait3A_297 : memref<1x128x128xf32, #tpu.memory_space<vmem>> -> memref<128x128xf32, #tpu.memory_space<vmem>>
    tpu.wait_dma2 semaphore(%dma_wait3A_291 : memref<!tpu.dma_semaphore, #tpu.memory_space<semaphore_mem>>) src(%dma_wait3A_298 : memref<128x128xf32, #tpu.memory_space<vmem>>) dst(%dma_wait3A_294 : memref<128x128xf32, #tpu.memory_space<hbm>>)
    %dma_start3A_299 = arith.constant 7 : i32
    %dma_start3A_300 = arith.constant 2 : i32
    %dma_start3A_301 = arith.constant 2 : i32
    %dma_start3A_302 = arith.constant 0 : i32
    %dma_start3A_303 = arith.constant 0 : i32
    %dma_start3A_304 = tpu.memref_slice %arg6[%dma_start3A_300, %dma_start3A_302, %dma_start3A_303] : memref<5x128x128xf32, #tpu.memory_space<vmem>> -> memref<1x128x128xf32, #tpu.memory_space<vmem>>
    %dma_start3A_305 = tpu.memref_squeeze %dma_start3A_304 : memref<1x128x128xf32, #tpu.memory_space<vmem>> -> memref<128x128xf32, #tpu.memory_space<vmem>>
    %dma_start3A_306 = arith.constant 0 : i32
    %dma_start3A_307 = tpu.memref_slice %arg5[%dma_start3A_299, %dma_start3A_306] : memref<50x128xi32, #tpu.memory_space<vmem>> -> memref<1x128xi32, #tpu.memory_space<vmem>>
    %dma_start3A_308 = tpu.memref_squeeze %dma_start3A_307 : memref<1x128xi32, #tpu.memory_space<vmem>> -> memref<128xi32, #tpu.memory_space<vmem>>
    %dma_start3A_309 = arith.constant 0 : i32
    %dma_start3A_310 = arith.constant 0 : i32
    %dma_start3A_311 = tpu.memref_slice %arg2[%dma_start3A_309, %dma_start3A_310] : memref<100000x128xf32, #tpu.memory_space<hbm>> -> memref<100000x128xf32, #tpu.memory_space<hbm>>
    %dma_start3A_312 = tpu.memref_slice %arg7[%dma_start3A_301] : memref<5x!tpu.dma_semaphore, #tpu.memory_space<semaphore_mem>> -> memref<1x!tpu.dma_semaphore, #tpu.memory_space<semaphore_mem>>
    %dma_start3A_313 = tpu.memref_squeeze %dma_start3A_312 : memref<1x!tpu.dma_semaphore, #tpu.memory_space<semaphore_mem>> -> memref<!tpu.dma_semaphore, #tpu.memory_space<semaphore_mem>>
    tpu.enqueue_indirect_dma source(%dma_start3A_311 : memref<100000x128xf32, #tpu.memory_space<hbm>>) target(%dma_start3A_305 : memref<128x128xf32, #tpu.memory_space<vmem>>) offsets(%dma_start3A_308 : memref<128xi32, #tpu.memory_space<vmem>>) semaphore(%dma_start3A_313 : memref<!tpu.dma_semaphore, #tpu.memory_space<semaphore_mem>>)
    %dma_wait3A_314 = arith.constant 0 : i32
    %dma_wait3A_315 = arith.constant 4 : i32
    %dma_wait3A_316 = arith.constant 4 : i32
    %dma_wait3A_317 = arith.constant 0 : i32
    %dma_wait3A_318 = arith.constant 0 : i32
    %dma_wait3A_319 = tpu.memref_slice %arg6[%dma_wait3A_315, %dma_wait3A_317, %dma_wait3A_318] : memref<5x128x128xf32, #tpu.memory_space<vmem>> -> memref<1x128x128xf32, #tpu.memory_space<vmem>>
    %dma_wait3A_320 = tpu.memref_squeeze %dma_wait3A_319 : memref<1x128x128xf32, #tpu.memory_space<vmem>> -> memref<128x128xf32, #tpu.memory_space<vmem>>
    %dma_wait3A_321 = arith.constant 0 : i32
    %dma_wait3A_322 = tpu.memref_slice %arg5[%dma_wait3A_314, %dma_wait3A_321] : memref<50x128xi32, #tpu.memory_space<vmem>> -> memref<1x128xi32, #tpu.memory_space<vmem>>
    %dma_wait3A_323 = tpu.memref_squeeze %dma_wait3A_322 : memref<1x128xi32, #tpu.memory_space<vmem>> -> memref<128xi32, #tpu.memory_space<vmem>>
    %dma_wait3A_324 = arith.constant 0 : i32
    %dma_wait3A_325 = arith.constant 0 : i32
    %dma_wait3A_326 = tpu.memref_slice %arg2[%dma_wait3A_324, %dma_wait3A_325] : memref<100000x128xf32, #tpu.memory_space<hbm>> -> memref<100000x128xf32, #tpu.memory_space<hbm>>
    %dma_wait3A_327 = tpu.memref_slice %arg7[%dma_wait3A_316] : memref<5x!tpu.dma_semaphore, #tpu.memory_space<semaphore_mem>> -> memref<1x!tpu.dma_semaphore, #tpu.memory_space<semaphore_mem>>
    %dma_wait3A_328 = tpu.memref_squeeze %dma_wait3A_327 : memref<1x!tpu.dma_semaphore, #tpu.memory_space<semaphore_mem>> -> memref<!tpu.dma_semaphore, #tpu.memory_space<semaphore_mem>>
    tpu.wait_indirect_dma semaphore(%dma_wait3A_328 : memref<!tpu.dma_semaphore, #tpu.memory_space<semaphore_mem>>) src(%dma_wait3A_326 : memref<100000x128xf32, #tpu.memory_space<hbm>>) dst(%dma_wait3A_320 : memref<128x128xf32, #tpu.memory_space<vmem>>)
    %dma_start3A_329 = arith.constant 4 : i32
    %dma_start3A_330 = arith.constant 4 : i32
    %dma_start3A_331 = arith.constant 4 : i32
    %dma_start3A_332 = arith.constant 0 : i32
    %dma_start3A_333 = arith.constant 0 : i32
    %dma_start3A_334 = tpu.memref_slice %arg6[%dma_start3A_329, %dma_start3A_332, %dma_start3A_333] : memref<5x128x128xf32, #tpu.memory_space<vmem>> -> memref<1x128x128xf32, #tpu.memory_space<vmem>>
    %dma_start3A_335 = tpu.memref_squeeze %dma_start3A_334 : memref<1x128x128xf32, #tpu.memory_space<vmem>> -> memref<128x128xf32, #tpu.memory_space<vmem>>
    %dma_start3A_336 = arith.constant 0 : i32
    %dma_start3A_337 = tpu.memref_slice %arg4[%dma_start3A_330, %mul3A_2, %dma_start3A_336] : memref<50x4096x128xf32, #tpu.memory_space<hbm>> -> memref<1x128x128xf32, #tpu.memory_space<hbm>>
    %dma_start3A_338 = tpu.memref_squeeze %dma_start3A_337 : memref<1x128x128xf32, #tpu.memory_space<hbm>> -> memref<128x128xf32, #tpu.memory_space<hbm>>
    %dma_start3A_339 = tpu.memref_slice %arg8[%dma_start3A_331] : memref<5x!tpu.dma_semaphore, #tpu.memory_space<semaphore_mem>> -> memref<1x!tpu.dma_semaphore, #tpu.memory_space<semaphore_mem>>
    %dma_start3A_340 = tpu.memref_squeeze %dma_start3A_339 : memref<1x!tpu.dma_semaphore, #tpu.memory_space<semaphore_mem>> -> memref<!tpu.dma_semaphore, #tpu.memory_space<semaphore_mem>>
    %dma_start3A_341 = arith.constant 0 : i32
    %dma_start3A_342 = tpu.memref_slice %arg4[%dma_start3A_330, %mul3A_2, %dma_start3A_341] : memref<50x4096x128xf32, #tpu.memory_space<hbm>> -> memref<1x128x128xf32, #tpu.memory_space<hbm>>
    %dma_start3A_343 = tpu.memref_squeeze %dma_start3A_342 : memref<1x128x128xf32, #tpu.memory_space<hbm>> -> memref<128x128xf32, #tpu.memory_space<hbm>>
    %dma_start3A_344 = arith.constant 0 : i32
    %dma_start3A_345 = arith.constant 0 : i32
    %dma_start3A_346 = tpu.memref_slice %arg6[%dma_start3A_329, %dma_start3A_344, %dma_start3A_345] : memref<5x128x128xf32, #tpu.memory_space<vmem>> -> memref<1x128x128xf32, #tpu.memory_space<vmem>>
    %dma_start3A_347 = tpu.memref_squeeze %dma_start3A_346 : memref<1x128x128xf32, #tpu.memory_space<vmem>> -> memref<128x128xf32, #tpu.memory_space<vmem>>
    tpu.enqueue_dma source(%dma_start3A_347 : memref<128x128xf32, #tpu.memory_space<vmem>>) target(%dma_start3A_343 : memref<128x128xf32, #tpu.memory_space<hbm>>) target_semaphore(%dma_start3A_340 : memref<!tpu.dma_semaphore, #tpu.memory_space<semaphore_mem>>)
    %scan3A = arith.constant 0 : i32
    %scan3A_348 = arith.constant 1 : i32
    %scan3A_349 = arith.constant 8 : i32
    %scan3A_350 = arith.addi %scan3A_348, %scan3A_349 : i32
    %scan3A_351 = arith.constant 1 : i32
    scf.for %scan3A_686 = %scan3A_348 to %scan3A_350 step %scan3A_351  : i32 {
      %mul3A_687 = arith.constant 5 : i32
      %mul3A_688 = arith.muli %scan3A_686, %mul3A_687 : i32
      %add3A_689 = arith.constant 0 : i32
      %add3A_690 = arith.addi %mul3A_688, %add3A_689 : i32
      %add3A_691 = arith.constant 3 : i32
      %add3A_692 = arith.addi %add3A_690, %add3A_691 : i32
      %jit3A = arith.constant 5 : i32
      %eq3A = arith.constant 0 : i32
      %eq3A_693 = arith.cmpi eq, %jit3A, %eq3A : i32
      %jit3A_694 = arith.constant 1 : i32
      %select_n3A = arith.select %eq3A_693, %jit3A_694, %jit3A : i32
      %rem3A = arith.remsi %add3A_692, %select_n3A : i32
      %ne3A = arith.constant 0 : i32
      %ne3A_695 = arith.cmpi ne, %rem3A, %ne3A : i32
      %lt3A = arith.constant 0 : i32
      %lt3A_696 = arith.cmpi slt, %rem3A, %lt3A : i32
      %lt3A_697 = arith.constant 0 : i32
      %lt3A_698 = arith.cmpi slt, %select_n3A, %lt3A_697 : i32
      %ne3A_699 = arith.xori %lt3A_696, %lt3A_698 : i1
      %and3A = arith.andi %ne3A_699, %ne3A_695 : i1
      %add3A_700 = arith.addi %rem3A, %select_n3A : i32
      %select_n3A_701 = arith.select %and3A, %add3A_700, %rem3A : i32
      %dma_wait3A_702 = arith.constant 0 : i32
      %dma_wait3A_703 = arith.constant 0 : i32
      %dma_wait3A_704 = arith.constant 0 : i32
      %dma_wait3A_705 = tpu.memref_slice %arg6[%select_n3A_701, %dma_wait3A_703, %dma_wait3A_704] : memref<5x128x128xf32, #tpu.memory_space<vmem>> -> memref<1x128x128xf32, #tpu.memory_space<vmem>>
      %dma_wait3A_706 = tpu.memref_squeeze %dma_wait3A_705 : memref<1x128x128xf32, #tpu.memory_space<vmem>> -> memref<128x128xf32, #tpu.memory_space<vmem>>
      %dma_wait3A_707 = arith.constant 0 : i32
      %dma_wait3A_708 = tpu.memref_slice %arg4[%dma_wait3A_702, %mul3A_2, %dma_wait3A_707] : memref<50x4096x128xf32, #tpu.memory_space<hbm>> -> memref<1x128x128xf32, #tpu.memory_space<hbm>>
      %dma_wait3A_709 = tpu.memref_squeeze %dma_wait3A_708 : memref<1x128x128xf32, #tpu.memory_space<hbm>> -> memref<128x128xf32, #tpu.memory_space<hbm>>
      %dma_wait3A_710 = tpu.memref_slice %arg8[%select_n3A_701] : memref<5x!tpu.dma_semaphore, #tpu.memory_space<semaphore_mem>> -> memref<1x!tpu.dma_semaphore, #tpu.memory_space<semaphore_mem>>
      %dma_wait3A_711 = tpu.memref_squeeze %dma_wait3A_710 : memref<1x!tpu.dma_semaphore, #tpu.memory_space<semaphore_mem>> -> memref<!tpu.dma_semaphore, #tpu.memory_space<semaphore_mem>>
      %dma_wait3A_712 = arith.constant 0 : i32
      %dma_wait3A_713 = tpu.memref_slice %arg4[%dma_wait3A_702, %mul3A_2, %dma_wait3A_712] : memref<50x4096x128xf32, #tpu.memory_space<hbm>> -> memref<1x128x128xf32, #tpu.memory_space<hbm>>
      %dma_wait3A_714 = tpu.memref_squeeze %dma_wait3A_713 : memref<1x128x128xf32, #tpu.memory_space<hbm>> -> memref<128x128xf32, #tpu.memory_space<hbm>>
      %dma_wait3A_715 = arith.constant 0 : i32
      %dma_wait3A_716 = arith.constant 0 : i32
      %dma_wait3A_717 = tpu.memref_slice %arg6[%select_n3A_701, %dma_wait3A_715, %dma_wait3A_716] : memref<5x128x128xf32, #tpu.memory_space<vmem>> -> memref<1x128x128xf32, #tpu.memory_space<vmem>>
      %dma_wait3A_718 = tpu.memref_squeeze %dma_wait3A_717 : memref<1x128x128xf32, #tpu.memory_space<vmem>> -> memref<128x128xf32, #tpu.memory_space<vmem>>
      tpu.wait_dma2 semaphore(%dma_wait3A_711 : memref<!tpu.dma_semaphore, #tpu.memory_space<semaphore_mem>>) src(%dma_wait3A_718 : memref<128x128xf32, #tpu.memory_space<vmem>>) dst(%dma_wait3A_714 : memref<128x128xf32, #tpu.memory_space<hbm>>)
      %add3A_719 = arith.constant 3 : i32
      %add3A_720 = arith.addi %add3A_690, %add3A_719 : i32
      %add3A_721 = arith.constant 3 : i32
      %add3A_722 = arith.addi %add3A_690, %add3A_721 : i32
      %jit3A_723 = arith.constant 5 : i32
      %eq3A_724 = arith.constant 0 : i32
      %eq3A_725 = arith.cmpi eq, %jit3A_723, %eq3A_724 : i32
      %jit3A_726 = arith.constant 1 : i32
      %select_n3A_727 = arith.select %eq3A_725, %jit3A_726, %jit3A_723 : i32
      %rem3A_728 = arith.remsi %add3A_722, %select_n3A_727 : i32
      %ne3A_729 = arith.constant 0 : i32
      %ne3A_730 = arith.cmpi ne, %rem3A_728, %ne3A_729 : i32
      %lt3A_731 = arith.constant 0 : i32
      %lt3A_732 = arith.cmpi slt, %rem3A_728, %lt3A_731 : i32
      %lt3A_733 = arith.constant 0 : i32
      %lt3A_734 = arith.cmpi slt, %select_n3A_727, %lt3A_733 : i32
      %ne3A_735 = arith.xori %lt3A_732, %lt3A_734 : i1
      %and3A_736 = arith.andi %ne3A_735, %ne3A_730 : i1
      %add3A_737 = arith.addi %rem3A_728, %select_n3A_727 : i32
      %select_n3A_738 = arith.select %and3A_736, %add3A_737, %rem3A_728 : i32
      %dma_start3A_739 = arith.constant 0 : i32
      %dma_start3A_740 = arith.constant 0 : i32
      %dma_start3A_741 = tpu.memref_slice %arg6[%select_n3A_738, %dma_start3A_739, %dma_start3A_740] : memref<5x128x128xf32, #tpu.memory_space<vmem>> -> memref<1x128x128xf32, #tpu.memory_space<vmem>>
      %dma_start3A_742 = tpu.memref_squeeze %dma_start3A_741 : memref<1x128x128xf32, #tpu.memory_space<vmem>> -> memref<128x128xf32, #tpu.memory_space<vmem>>
      %dma_start3A_743 = arith.constant 0 : i32
      %dma_start3A_744 = tpu.memref_slice %arg5[%add3A_720, %dma_start3A_743] : memref<50x128xi32, #tpu.memory_space<vmem>> -> memref<1x128xi32, #tpu.memory_space<vmem>>
      %dma_start3A_745 = tpu.memref_squeeze %dma_start3A_744 : memref<1x128xi32, #tpu.memory_space<vmem>> -> memref<128xi32, #tpu.memory_space<vmem>>
      %dma_start3A_746 = arith.constant 0 : i32
      %dma_start3A_747 = arith.constant 0 : i32
      %dma_start3A_748 = tpu.memref_slice %arg2[%dma_start3A_746, %dma_start3A_747] : memref<100000x128xf32, #tpu.memory_space<hbm>> -> memref<100000x128xf32, #tpu.memory_space<hbm>>
      %dma_start3A_749 = tpu.memref_slice %arg7[%select_n3A_738] : memref<5x!tpu.dma_semaphore, #tpu.memory_space<semaphore_mem>> -> memref<1x!tpu.dma_semaphore, #tpu.memory_space<semaphore_mem>>
      %dma_start3A_750 = tpu.memref_squeeze %dma_start3A_749 : memref<1x!tpu.dma_semaphore, #tpu.memory_space<semaphore_mem>> -> memref<!tpu.dma_semaphore, #tpu.memory_space<semaphore_mem>>
      tpu.enqueue_indirect_dma source(%dma_start3A_748 : memref<100000x128xf32, #tpu.memory_space<hbm>>) target(%dma_start3A_742 : memref<128x128xf32, #tpu.memory_space<vmem>>) offsets(%dma_start3A_745 : memref<128xi32, #tpu.memory_space<vmem>>) semaphore(%dma_start3A_750 : memref<!tpu.dma_semaphore, #tpu.memory_space<semaphore_mem>>)
      %jit3A_751 = arith.constant 5 : i32
      %eq3A_752 = arith.constant 0 : i32
      %eq3A_753 = arith.cmpi eq, %jit3A_751, %eq3A_752 : i32
      %jit3A_754 = arith.constant 1 : i32
      %select_n3A_755 = arith.select %eq3A_753, %jit3A_754, %jit3A_751 : i32
      %rem3A_756 = arith.remsi %add3A_690, %select_n3A_755 : i32
      %ne3A_757 = arith.constant 0 : i32
      %ne3A_758 = arith.cmpi ne, %rem3A_756, %ne3A_757 : i32
      %lt3A_759 = arith.constant 0 : i32
      %lt3A_760 = arith.cmpi slt, %rem3A_756, %lt3A_759 : i32
      %lt3A_761 = arith.constant 0 : i32
      %lt3A_762 = arith.cmpi slt, %select_n3A_755, %lt3A_761 : i32
      %ne3A_763 = arith.xori %lt3A_760, %lt3A_762 : i1
      %and3A_764 = arith.andi %ne3A_763, %ne3A_758 : i1
      %add3A_765 = arith.addi %rem3A_756, %select_n3A_755 : i32
      %select_n3A_766 = arith.select %and3A_764, %add3A_765, %rem3A_756 : i32
      %dma_wait3A_767 = arith.constant 0 : i32
      %dma_wait3A_768 = arith.constant 0 : i32
      %dma_wait3A_769 = arith.constant 0 : i32
      %dma_wait3A_770 = tpu.memref_slice %arg6[%select_n3A_766, %dma_wait3A_768, %dma_wait3A_769] : memref<5x128x128xf32, #tpu.memory_space<vmem>> -> memref<1x128x128xf32, #tpu.memory_space<vmem>>
      %dma_wait3A_771 = tpu.memref_squeeze %dma_wait3A_770 : memref<1x128x128xf32, #tpu.memory_space<vmem>> -> memref<128x128xf32, #tpu.memory_space<vmem>>
      %dma_wait3A_772 = arith.constant 0 : i32
      %dma_wait3A_773 = tpu.memref_slice %arg5[%dma_wait3A_767, %dma_wait3A_772] : memref<50x128xi32, #tpu.memory_space<vmem>> -> memref<1x128xi32, #tpu.memory_space<vmem>>
      %dma_wait3A_774 = tpu.memref_squeeze %dma_wait3A_773 : memref<1x128xi32, #tpu.memory_space<vmem>> -> memref<128xi32, #tpu.memory_space<vmem>>
      %dma_wait3A_775 = arith.constant 0 : i32
      %dma_wait3A_776 = arith.constant 0 : i32
      %dma_wait3A_777 = tpu.memref_slice %arg2[%dma_wait3A_775, %dma_wait3A_776] : memref<100000x128xf32, #tpu.memory_space<hbm>> -> memref<100000x128xf32, #tpu.memory_space<hbm>>
      %dma_wait3A_778 = tpu.memref_slice %arg7[%select_n3A_766] : memref<5x!tpu.dma_semaphore, #tpu.memory_space<semaphore_mem>> -> memref<1x!tpu.dma_semaphore, #tpu.memory_space<semaphore_mem>>
      %dma_wait3A_779 = tpu.memref_squeeze %dma_wait3A_778 : memref<1x!tpu.dma_semaphore, #tpu.memory_space<semaphore_mem>> -> memref<!tpu.dma_semaphore, #tpu.memory_space<semaphore_mem>>
      tpu.wait_indirect_dma semaphore(%dma_wait3A_779 : memref<!tpu.dma_semaphore, #tpu.memory_space<semaphore_mem>>) src(%dma_wait3A_777 : memref<100000x128xf32, #tpu.memory_space<hbm>>) dst(%dma_wait3A_771 : memref<128x128xf32, #tpu.memory_space<vmem>>)
      %jit3A_780 = arith.constant 5 : i32
      %eq3A_781 = arith.constant 0 : i32
      %eq3A_782 = arith.cmpi eq, %jit3A_780, %eq3A_781 : i32
      %jit3A_783 = arith.constant 1 : i32
      %select_n3A_784 = arith.select %eq3A_782, %jit3A_783, %jit3A_780 : i32
      %rem3A_785 = arith.remsi %add3A_690, %select_n3A_784 : i32
      %ne3A_786 = arith.constant 0 : i32
      %ne3A_787 = arith.cmpi ne, %rem3A_785, %ne3A_786 : i32
      %lt3A_788 = arith.constant 0 : i32
      %lt3A_789 = arith.cmpi slt, %rem3A_785, %lt3A_788 : i32
      %lt3A_790 = arith.constant 0 : i32
      %lt3A_791 = arith.cmpi slt, %select_n3A_784, %lt3A_790 : i32
      %ne3A_792 = arith.xori %lt3A_789, %lt3A_791 : i1
      %and3A_793 = arith.andi %ne3A_792, %ne3A_787 : i1
      %add3A_794 = arith.addi %rem3A_785, %select_n3A_784 : i32
      %select_n3A_795 = arith.select %and3A_793, %add3A_794, %rem3A_785 : i32
      %dma_start3A_796 = arith.constant 0 : i32
      %dma_start3A_797 = arith.constant 0 : i32
      %dma_start3A_798 = tpu.memref_slice %arg6[%select_n3A_795, %dma_start3A_796, %dma_start3A_797] : memref<5x128x128xf32, #tpu.memory_space<vmem>> -> memref<1x128x128xf32, #tpu.memory_space<vmem>>
      %dma_start3A_799 = tpu.memref_squeeze %dma_start3A_798 : memref<1x128x128xf32, #tpu.memory_space<vmem>> -> memref<128x128xf32, #tpu.memory_space<vmem>>
      %dma_start3A_800 = arith.constant 0 : i32
      %dma_start3A_801 = tpu.memref_slice %arg4[%add3A_690, %mul3A_2, %dma_start3A_800] : memref<50x4096x128xf32, #tpu.memory_space<hbm>> -> memref<1x128x128xf32, #tpu.memory_space<hbm>>
      %dma_start3A_802 = tpu.memref_squeeze %dma_start3A_801 : memref<1x128x128xf32, #tpu.memory_space<hbm>> -> memref<128x128xf32, #tpu.memory_space<hbm>>
      %dma_start3A_803 = tpu.memref_slice %arg8[%select_n3A_795] : memref<5x!tpu.dma_semaphore, #tpu.memory_space<semaphore_mem>> -> memref<1x!tpu.dma_semaphore, #tpu.memory_space<semaphore_mem>>
      %dma_start3A_804 = tpu.memref_squeeze %dma_start3A_803 : memref<1x!tpu.dma_semaphore, #tpu.memory_space<semaphore_mem>> -> memref<!tpu.dma_semaphore, #tpu.memory_space<semaphore_mem>>
      %dma_start3A_805 = arith.constant 0 : i32
      %dma_start3A_806 = tpu.memref_slice %arg4[%add3A_690, %mul3A_2, %dma_start3A_805] : memref<50x4096x128xf32, #tpu.memory_space<hbm>> -> memref<1x128x128xf32, #tpu.memory_space<hbm>>
      %dma_start3A_807 = tpu.memref_squeeze %dma_start3A_806 : memref<1x128x128xf32, #tpu.memory_space<hbm>> -> memref<128x128xf32, #tpu.memory_space<hbm>>
      %dma_start3A_808 = arith.constant 0 : i32
      %dma_start3A_809 = arith.constant 0 : i32
      %dma_start3A_810 = tpu.memref_slice %arg6[%select_n3A_795, %dma_start3A_808, %dma_start3A_809] : memref<5x128x128xf32, #tpu.memory_space<vmem>> -> memref<1x128x128xf32, #tpu.memory_space<vmem>>
      %dma_start3A_811 = tpu.memref_squeeze %dma_start3A_810 : memref<1x128x128xf32, #tpu.memory_space<vmem>> -> memref<128x128xf32, #tpu.memory_space<vmem>>
      tpu.enqueue_dma source(%dma_start3A_811 : memref<128x128xf32, #tpu.memory_space<vmem>>) target(%dma_start3A_807 : memref<128x128xf32, #tpu.memory_space<hbm>>) target_semaphore(%dma_start3A_804 : memref<!tpu.dma_semaphore, #tpu.memory_space<semaphore_mem>>)
      %mul3A_812 = arith.constant 5 : i32
      %mul3A_813 = arith.muli %scan3A_686, %mul3A_812 : i32
      %add3A_814 = arith.constant 1 : i32
      %add3A_815 = arith.addi %mul3A_813, %add3A_814 : i32
      %add3A_816 = arith.constant 3 : i32
      %add3A_817 = arith.addi %add3A_815, %add3A_816 : i32
      %jit3A_818 = arith.constant 5 : i32
      %eq3A_819 = arith.constant 0 : i32
      %eq3A_820 = arith.cmpi eq, %jit3A_818, %eq3A_819 : i32
      %jit3A_821 = arith.constant 1 : i32
      %select_n3A_822 = arith.select %eq3A_820, %jit3A_821, %jit3A_818 : i32
      %rem3A_823 = arith.remsi %add3A_817, %select_n3A_822 : i32
      %ne3A_824 = arith.constant 0 : i32
      %ne3A_825 = arith.cmpi ne, %rem3A_823, %ne3A_824 : i32
      %lt3A_826 = arith.constant 0 : i32
      %lt3A_827 = arith.cmpi slt, %rem3A_823, %lt3A_826 : i32
      %lt3A_828 = arith.constant 0 : i32
      %lt3A_829 = arith.cmpi slt, %select_n3A_822, %lt3A_828 : i32
      %ne3A_830 = arith.xori %lt3A_827, %lt3A_829 : i1
      %and3A_831 = arith.andi %ne3A_830, %ne3A_825 : i1
      %add3A_832 = arith.addi %rem3A_823, %select_n3A_822 : i32
      %select_n3A_833 = arith.select %and3A_831, %add3A_832, %rem3A_823 : i32
      %dma_wait3A_834 = arith.constant 0 : i32
      %dma_wait3A_835 = arith.constant 0 : i32
      %dma_wait3A_836 = arith.constant 0 : i32
      %dma_wait3A_837 = tpu.memref_slice %arg6[%select_n3A_833, %dma_wait3A_835, %dma_wait3A_836] : memref<5x128x128xf32, #tpu.memory_space<vmem>> -> memref<1x128x128xf32, #tpu.memory_space<vmem>>
      %dma_wait3A_838 = tpu.memref_squeeze %dma_wait3A_837 : memref<1x128x128xf32, #tpu.memory_space<vmem>> -> memref<128x128xf32, #tpu.memory_space<vmem>>
      %dma_wait3A_839 = arith.constant 0 : i32
      %dma_wait3A_840 = tpu.memref_slice %arg4[%dma_wait3A_834, %mul3A_2, %dma_wait3A_839] : memref<50x4096x128xf32, #tpu.memory_space<hbm>> -> memref<1x128x128xf32, #tpu.memory_space<hbm>>
      %dma_wait3A_841 = tpu.memref_squeeze %dma_wait3A_840 : memref<1x128x128xf32, #tpu.memory_space<hbm>> -> memref<128x128xf32, #tpu.memory_space<hbm>>
      %dma_wait3A_842 = tpu.memref_slice %arg8[%select_n3A_833] : memref<5x!tpu.dma_semaphore, #tpu.memory_space<semaphore_mem>> -> memref<1x!tpu.dma_semaphore, #tpu.memory_space<semaphore_mem>>
      %dma_wait3A_843 = tpu.memref_squeeze %dma_wait3A_842 : memref<1x!tpu.dma_semaphore, #tpu.memory_space<semaphore_mem>> -> memref<!tpu.dma_semaphore, #tpu.memory_space<semaphore_mem>>
      %dma_wait3A_844 = arith.constant 0 : i32
      %dma_wait3A_845 = tpu.memref_slice %arg4[%dma_wait3A_834, %mul3A_2, %dma_wait3A_844] : memref<50x4096x128xf32, #tpu.memory_space<hbm>> -> memref<1x128x128xf32, #tpu.memory_space<hbm>>
      %dma_wait3A_846 = tpu.memref_squeeze %dma_wait3A_845 : memref<1x128x128xf32, #tpu.memory_space<hbm>> -> memref<128x128xf32, #tpu.memory_space<hbm>>
      %dma_wait3A_847 = arith.constant 0 : i32
      %dma_wait3A_848 = arith.constant 0 : i32
      %dma_wait3A_849 = tpu.memref_slice %arg6[%select_n3A_833, %dma_wait3A_847, %dma_wait3A_848] : memref<5x128x128xf32, #tpu.memory_space<vmem>> -> memref<1x128x128xf32, #tpu.memory_space<vmem>>
      %dma_wait3A_850 = tpu.memref_squeeze %dma_wait3A_849 : memref<1x128x128xf32, #tpu.memory_space<vmem>> -> memref<128x128xf32, #tpu.memory_space<vmem>>
      tpu.wait_dma2 semaphore(%dma_wait3A_843 : memref<!tpu.dma_semaphore, #tpu.memory_space<semaphore_mem>>) src(%dma_wait3A_850 : memref<128x128xf32, #tpu.memory_space<vmem>>) dst(%dma_wait3A_846 : memref<128x128xf32, #tpu.memory_space<hbm>>)
      %add3A_851 = arith.constant 3 : i32
      %add3A_852 = arith.addi %add3A_815, %add3A_851 : i32
      %add3A_853 = arith.constant 3 : i32
      %add3A_854 = arith.addi %add3A_815, %add3A_853 : i32
      %jit3A_855 = arith.constant 5 : i32
      %eq3A_856 = arith.constant 0 : i32
      %eq3A_857 = arith.cmpi eq, %jit3A_855, %eq3A_856 : i32
      %jit3A_858 = arith.constant 1 : i32
      %select_n3A_859 = arith.select %eq3A_857, %jit3A_858, %jit3A_855 : i32
      %rem3A_860 = arith.remsi %add3A_854, %select_n3A_859 : i32
      %ne3A_861 = arith.constant 0 : i32
      %ne3A_862 = arith.cmpi ne, %rem3A_860, %ne3A_861 : i32
      %lt3A_863 = arith.constant 0 : i32
      %lt3A_864 = arith.cmpi slt, %rem3A_860, %lt3A_863 : i32
      %lt3A_865 = arith.constant 0 : i32
      %lt3A_866 = arith.cmpi slt, %select_n3A_859, %lt3A_865 : i32
      %ne3A_867 = arith.xori %lt3A_864, %lt3A_866 : i1
      %and3A_868 = arith.andi %ne3A_867, %ne3A_862 : i1
      %add3A_869 = arith.addi %rem3A_860, %select_n3A_859 : i32
      %select_n3A_870 = arith.select %and3A_868, %add3A_869, %rem3A_860 : i32
      %dma_start3A_871 = arith.constant 0 : i32
      %dma_start3A_872 = arith.constant 0 : i32
      %dma_start3A_873 = tpu.memref_slice %arg6[%select_n3A_870, %dma_start3A_871, %dma_start3A_872] : memref<5x128x128xf32, #tpu.memory_space<vmem>> -> memref<1x128x128xf32, #tpu.memory_space<vmem>>
      %dma_start3A_874 = tpu.memref_squeeze %dma_start3A_873 : memref<1x128x128xf32, #tpu.memory_space<vmem>> -> memref<128x128xf32, #tpu.memory_space<vmem>>
      %dma_start3A_875 = arith.constant 0 : i32
      %dma_start3A_876 = tpu.memref_slice %arg5[%add3A_852, %dma_start3A_875] : memref<50x128xi32, #tpu.memory_space<vmem>> -> memref<1x128xi32, #tpu.memory_space<vmem>>
      %dma_start3A_877 = tpu.memref_squeeze %dma_start3A_876 : memref<1x128xi32, #tpu.memory_space<vmem>> -> memref<128xi32, #tpu.memory_space<vmem>>
      %dma_start3A_878 = arith.constant 0 : i32
      %dma_start3A_879 = arith.constant 0 : i32
      %dma_start3A_880 = tpu.memref_slice %arg2[%dma_start3A_878, %dma_start3A_879] : memref<100000x128xf32, #tpu.memory_space<hbm>> -> memref<100000x128xf32, #tpu.memory_space<hbm>>
      %dma_start3A_881 = tpu.memref_slice %arg7[%select_n3A_870] : memref<5x!tpu.dma_semaphore, #tpu.memory_space<semaphore_mem>> -> memref<1x!tpu.dma_semaphore, #tpu.memory_space<semaphore_mem>>
      %dma_start3A_882 = tpu.memref_squeeze %dma_start3A_881 : memref<1x!tpu.dma_semaphore, #tpu.memory_space<semaphore_mem>> -> memref<!tpu.dma_semaphore, #tpu.memory_space<semaphore_mem>>
      tpu.enqueue_indirect_dma source(%dma_start3A_880 : memref<100000x128xf32, #tpu.memory_space<hbm>>) target(%dma_start3A_874 : memref<128x128xf32, #tpu.memory_space<vmem>>) offsets(%dma_start3A_877 : memref<128xi32, #tpu.memory_space<vmem>>) semaphore(%dma_start3A_882 : memref<!tpu.dma_semaphore, #tpu.memory_space<semaphore_mem>>)
      %jit3A_883 = arith.constant 5 : i32
      %eq3A_884 = arith.constant 0 : i32
      %eq3A_885 = arith.cmpi eq, %jit3A_883, %eq3A_884 : i32
      %jit3A_886 = arith.constant 1 : i32
      %select_n3A_887 = arith.select %eq3A_885, %jit3A_886, %jit3A_883 : i32
      %rem3A_888 = arith.remsi %add3A_815, %select_n3A_887 : i32
      %ne3A_889 = arith.constant 0 : i32
      %ne3A_890 = arith.cmpi ne, %rem3A_888, %ne3A_889 : i32
      %lt3A_891 = arith.constant 0 : i32
      %lt3A_892 = arith.cmpi slt, %rem3A_888, %lt3A_891 : i32
      %lt3A_893 = arith.constant 0 : i32
      %lt3A_894 = arith.cmpi slt, %select_n3A_887, %lt3A_893 : i32
      %ne3A_895 = arith.xori %lt3A_892, %lt3A_894 : i1
      %and3A_896 = arith.andi %ne3A_895, %ne3A_890 : i1
      %add3A_897 = arith.addi %rem3A_888, %select_n3A_887 : i32
      %select_n3A_898 = arith.select %and3A_896, %add3A_897, %rem3A_888 : i32
      %dma_wait3A_899 = arith.constant 0 : i32
      %dma_wait3A_900 = arith.constant 0 : i32
      %dma_wait3A_901 = arith.constant 0 : i32
      %dma_wait3A_902 = tpu.memref_slice %arg6[%select_n3A_898, %dma_wait3A_900, %dma_wait3A_901] : memref<5x128x128xf32, #tpu.memory_space<vmem>> -> memref<1x128x128xf32, #tpu.memory_space<vmem>>
      %dma_wait3A_903 = tpu.memref_squeeze %dma_wait3A_902 : memref<1x128x128xf32, #tpu.memory_space<vmem>> -> memref<128x128xf32, #tpu.memory_space<vmem>>
      %dma_wait3A_904 = arith.constant 0 : i32
      %dma_wait3A_905 = tpu.memref_slice %arg5[%dma_wait3A_899, %dma_wait3A_904] : memref<50x128xi32, #tpu.memory_space<vmem>> -> memref<1x128xi32, #tpu.memory_space<vmem>>
      %dma_wait3A_906 = tpu.memref_squeeze %dma_wait3A_905 : memref<1x128xi32, #tpu.memory_space<vmem>> -> memref<128xi32, #tpu.memory_space<vmem>>
      %dma_wait3A_907 = arith.constant 0 : i32
      %dma_wait3A_908 = arith.constant 0 : i32
      %dma_wait3A_909 = tpu.memref_slice %arg2[%dma_wait3A_907, %dma_wait3A_908] : memref<100000x128xf32, #tpu.memory_space<hbm>> -> memref<100000x128xf32, #tpu.memory_space<hbm>>
      %dma_wait3A_910 = tpu.memref_slice %arg7[%select_n3A_898] : memref<5x!tpu.dma_semaphore, #tpu.memory_space<semaphore_mem>> -> memref<1x!tpu.dma_semaphore, #tpu.memory_space<semaphore_mem>>
      %dma_wait3A_911 = tpu.memref_squeeze %dma_wait3A_910 : memref<1x!tpu.dma_semaphore, #tpu.memory_space<semaphore_mem>> -> memref<!tpu.dma_semaphore, #tpu.memory_space<semaphore_mem>>
      tpu.wait_indirect_dma semaphore(%dma_wait3A_911 : memref<!tpu.dma_semaphore, #tpu.memory_space<semaphore_mem>>) src(%dma_wait3A_909 : memref<100000x128xf32, #tpu.memory_space<hbm>>) dst(%dma_wait3A_903 : memref<128x128xf32, #tpu.memory_space<vmem>>)
      %jit3A_912 = arith.constant 5 : i32
      %eq3A_913 = arith.constant 0 : i32
      %eq3A_914 = arith.cmpi eq, %jit3A_912, %eq3A_913 : i32
      %jit3A_915 = arith.constant 1 : i32
      %select_n3A_916 = arith.select %eq3A_914, %jit3A_915, %jit3A_912 : i32
      %rem3A_917 = arith.remsi %add3A_815, %select_n3A_916 : i32
      %ne3A_918 = arith.constant 0 : i32
      %ne3A_919 = arith.cmpi ne, %rem3A_917, %ne3A_918 : i32
      %lt3A_920 = arith.constant 0 : i32
      %lt3A_921 = arith.cmpi slt, %rem3A_917, %lt3A_920 : i32
      %lt3A_922 = arith.constant 0 : i32
      %lt3A_923 = arith.cmpi slt, %select_n3A_916, %lt3A_922 : i32
      %ne3A_924 = arith.xori %lt3A_921, %lt3A_923 : i1
      %and3A_925 = arith.andi %ne3A_924, %ne3A_919 : i1
      %add3A_926 = arith.addi %rem3A_917, %select_n3A_916 : i32
      %select_n3A_927 = arith.select %and3A_925, %add3A_926, %rem3A_917 : i32
      %dma_start3A_928 = arith.constant 0 : i32
      %dma_start3A_929 = arith.constant 0 : i32
      %dma_start3A_930 = tpu.memref_slice %arg6[%select_n3A_927, %dma_start3A_928, %dma_start3A_929] : memref<5x128x128xf32, #tpu.memory_space<vmem>> -> memref<1x128x128xf32, #tpu.memory_space<vmem>>
      %dma_start3A_931 = tpu.memref_squeeze %dma_start3A_930 : memref<1x128x128xf32, #tpu.memory_space<vmem>> -> memref<128x128xf32, #tpu.memory_space<vmem>>
      %dma_start3A_932 = arith.constant 0 : i32
      %dma_start3A_933 = tpu.memref_slice %arg4[%add3A_815, %mul3A_2, %dma_start3A_932] : memref<50x4096x128xf32, #tpu.memory_space<hbm>> -> memref<1x128x128xf32, #tpu.memory_space<hbm>>
      %dma_start3A_934 = tpu.memref_squeeze %dma_start3A_933 : memref<1x128x128xf32, #tpu.memory_space<hbm>> -> memref<128x128xf32, #tpu.memory_space<hbm>>
      %dma_start3A_935 = tpu.memref_slice %arg8[%select_n3A_927] : memref<5x!tpu.dma_semaphore, #tpu.memory_space<semaphore_mem>> -> memref<1x!tpu.dma_semaphore, #tpu.memory_space<semaphore_mem>>
      %dma_start3A_936 = tpu.memref_squeeze %dma_start3A_935 : memref<1x!tpu.dma_semaphore, #tpu.memory_space<semaphore_mem>> -> memref<!tpu.dma_semaphore, #tpu.memory_space<semaphore_mem>>
      %dma_start3A_937 = arith.constant 0 : i32
      %dma_start3A_938 = tpu.memref_slice %arg4[%add3A_815, %mul3A_2, %dma_start3A_937] : memref<50x4096x128xf32, #tpu.memory_space<hbm>> -> memref<1x128x128xf32, #tpu.memory_space<hbm>>
      %dma_start3A_939 = tpu.memref_squeeze %dma_start3A_938 : memref<1x128x128xf32, #tpu.memory_space<hbm>> -> memref<128x128xf32, #tpu.memory_space<hbm>>
      %dma_start3A_940 = arith.constant 0 : i32
      %dma_start3A_941 = arith.constant 0 : i32
      %dma_start3A_942 = tpu.memref_slice %arg6[%select_n3A_927, %dma_start3A_940, %dma_start3A_941] : memref<5x128x128xf32, #tpu.memory_space<vmem>> -> memref<1x128x128xf32, #tpu.memory_space<vmem>>
      %dma_start3A_943 = tpu.memref_squeeze %dma_start3A_942 : memref<1x128x128xf32, #tpu.memory_space<vmem>> -> memref<128x128xf32, #tpu.memory_space<vmem>>
      tpu.enqueue_dma source(%dma_start3A_943 : memref<128x128xf32, #tpu.memory_space<vmem>>) target(%dma_start3A_939 : memref<128x128xf32, #tpu.memory_space<hbm>>) target_semaphore(%dma_start3A_936 : memref<!tpu.dma_semaphore, #tpu.memory_space<semaphore_mem>>)
      %mul3A_944 = arith.constant 5 : i32
      %mul3A_945 = arith.muli %scan3A_686, %mul3A_944 : i32
      %add3A_946 = arith.constant 2 : i32
      %add3A_947 = arith.addi %mul3A_945, %add3A_946 : i32
      %add3A_948 = arith.constant 3 : i32
      %add3A_949 = arith.addi %add3A_947, %add3A_948 : i32
      %jit3A_950 = arith.constant 5 : i32
      %eq3A_951 = arith.constant 0 : i32
      %eq3A_952 = arith.cmpi eq, %jit3A_950, %eq3A_951 : i32
      %jit3A_953 = arith.constant 1 : i32
      %select_n3A_954 = arith.select %eq3A_952, %jit3A_953, %jit3A_950 : i32
      %rem3A_955 = arith.remsi %add3A_949, %select_n3A_954 : i32
      %ne3A_956 = arith.constant 0 : i32
      %ne3A_957 = arith.cmpi ne, %rem3A_955, %ne3A_956 : i32
      %lt3A_958 = arith.constant 0 : i32
      %lt3A_959 = arith.cmpi slt, %rem3A_955, %lt3A_958 : i32
      %lt3A_960 = arith.constant 0 : i32
      %lt3A_961 = arith.cmpi slt, %select_n3A_954, %lt3A_960 : i32
      %ne3A_962 = arith.xori %lt3A_959, %lt3A_961 : i1
      %and3A_963 = arith.andi %ne3A_962, %ne3A_957 : i1
      %add3A_964 = arith.addi %rem3A_955, %select_n3A_954 : i32
      %select_n3A_965 = arith.select %and3A_963, %add3A_964, %rem3A_955 : i32
      %dma_wait3A_966 = arith.constant 0 : i32
      %dma_wait3A_967 = arith.constant 0 : i32
      %dma_wait3A_968 = arith.constant 0 : i32
      %dma_wait3A_969 = tpu.memref_slice %arg6[%select_n3A_965, %dma_wait3A_967, %dma_wait3A_968] : memref<5x128x128xf32, #tpu.memory_space<vmem>> -> memref<1x128x128xf32, #tpu.memory_space<vmem>>
      %dma_wait3A_970 = tpu.memref_squeeze %dma_wait3A_969 : memref<1x128x128xf32, #tpu.memory_space<vmem>> -> memref<128x128xf32, #tpu.memory_space<vmem>>
      %dma_wait3A_971 = arith.constant 0 : i32
      %dma_wait3A_972 = tpu.memref_slice %arg4[%dma_wait3A_966, %mul3A_2, %dma_wait3A_971] : memref<50x4096x128xf32, #tpu.memory_space<hbm>> -> memref<1x128x128xf32, #tpu.memory_space<hbm>>
      %dma_wait3A_973 = tpu.memref_squeeze %dma_wait3A_972 : memref<1x128x128xf32, #tpu.memory_space<hbm>> -> memref<128x128xf32, #tpu.memory_space<hbm>>
      %dma_wait3A_974 = tpu.memref_slice %arg8[%select_n3A_965] : memref<5x!tpu.dma_semaphore, #tpu.memory_space<semaphore_mem>> -> memref<1x!tpu.dma_semaphore, #tpu.memory_space<semaphore_mem>>
      %dma_wait3A_975 = tpu.memref_squeeze %dma_wait3A_974 : memref<1x!tpu.dma_semaphore, #tpu.memory_space<semaphore_mem>> -> memref<!tpu.dma_semaphore, #tpu.memory_space<semaphore_mem>>
      %dma_wait3A_976 = arith.constant 0 : i32
      %dma_wait3A_977 = tpu.memref_slice %arg4[%dma_wait3A_966, %mul3A_2, %dma_wait3A_976] : memref<50x4096x128xf32, #tpu.memory_space<hbm>> -> memref<1x128x128xf32, #tpu.memory_space<hbm>>
      %dma_wait3A_978 = tpu.memref_squeeze %dma_wait3A_977 : memref<1x128x128xf32, #tpu.memory_space<hbm>> -> memref<128x128xf32, #tpu.memory_space<hbm>>
      %dma_wait3A_979 = arith.constant 0 : i32
      %dma_wait3A_980 = arith.constant 0 : i32
      %dma_wait3A_981 = tpu.memref_slice %arg6[%select_n3A_965, %dma_wait3A_979, %dma_wait3A_980] : memref<5x128x128xf32, #tpu.memory_space<vmem>> -> memref<1x128x128xf32, #tpu.memory_space<vmem>>
      %dma_wait3A_982 = tpu.memref_squeeze %dma_wait3A_981 : memref<1x128x128xf32, #tpu.memory_space<vmem>> -> memref<128x128xf32, #tpu.memory_space<vmem>>
      tpu.wait_dma2 semaphore(%dma_wait3A_975 : memref<!tpu.dma_semaphore, #tpu.memory_space<semaphore_mem>>) src(%dma_wait3A_982 : memref<128x128xf32, #tpu.memory_space<vmem>>) dst(%dma_wait3A_978 : memref<128x128xf32, #tpu.memory_space<hbm>>)
      %add3A_983 = arith.constant 3 : i32
      %add3A_984 = arith.addi %add3A_947, %add3A_983 : i32
      %add3A_985 = arith.constant 3 : i32
      %add3A_986 = arith.addi %add3A_947, %add3A_985 : i32
      %jit3A_987 = arith.constant 5 : i32
      %eq3A_988 = arith.constant 0 : i32
      %eq3A_989 = arith.cmpi eq, %jit3A_987, %eq3A_988 : i32
      %jit3A_990 = arith.constant 1 : i32
      %select_n3A_991 = arith.select %eq3A_989, %jit3A_990, %jit3A_987 : i32
      %rem3A_992 = arith.remsi %add3A_986, %select_n3A_991 : i32
      %ne3A_993 = arith.constant 0 : i32
      %ne3A_994 = arith.cmpi ne, %rem3A_992, %ne3A_993 : i32
      %lt3A_995 = arith.constant 0 : i32
      %lt3A_996 = arith.cmpi slt, %rem3A_992, %lt3A_995 : i32
      %lt3A_997 = arith.constant 0 : i32
      %lt3A_998 = arith.cmpi slt, %select_n3A_991, %lt3A_997 : i32
      %ne3A_999 = arith.xori %lt3A_996, %lt3A_998 : i1
      %and3A_1000 = arith.andi %ne3A_999, %ne3A_994 : i1
      %add3A_1001 = arith.addi %rem3A_992, %select_n3A_991 : i32
      %select_n3A_1002 = arith.select %and3A_1000, %add3A_1001, %rem3A_992 : i32
      %dma_start3A_1003 = arith.constant 0 : i32
      %dma_start3A_1004 = arith.constant 0 : i32
      %dma_start3A_1005 = tpu.memref_slice %arg6[%select_n3A_1002, %dma_start3A_1003, %dma_start3A_1004] : memref<5x128x128xf32, #tpu.memory_space<vmem>> -> memref<1x128x128xf32, #tpu.memory_space<vmem>>
      %dma_start3A_1006 = tpu.memref_squeeze %dma_start3A_1005 : memref<1x128x128xf32, #tpu.memory_space<vmem>> -> memref<128x128xf32, #tpu.memory_space<vmem>>
      %dma_start3A_1007 = arith.constant 0 : i32
      %dma_start3A_1008 = tpu.memref_slice %arg5[%add3A_984, %dma_start3A_1007] : memref<50x128xi32, #tpu.memory_space<vmem>> -> memref<1x128xi32, #tpu.memory_space<vmem>>
      %dma_start3A_1009 = tpu.memref_squeeze %dma_start3A_1008 : memref<1x128xi32, #tpu.memory_space<vmem>> -> memref<128xi32, #tpu.memory_space<vmem>>
      %dma_start3A_1010 = arith.constant 0 : i32
      %dma_start3A_1011 = arith.constant 0 : i32
      %dma_start3A_1012 = tpu.memref_slice %arg2[%dma_start3A_1010, %dma_start3A_1011] : memref<100000x128xf32, #tpu.memory_space<hbm>> -> memref<100000x128xf32, #tpu.memory_space<hbm>>
      %dma_start3A_1013 = tpu.memref_slice %arg7[%select_n3A_1002] : memref<5x!tpu.dma_semaphore, #tpu.memory_space<semaphore_mem>> -> memref<1x!tpu.dma_semaphore, #tpu.memory_space<semaphore_mem>>
      %dma_start3A_1014 = tpu.memref_squeeze %dma_start3A_1013 : memref<1x!tpu.dma_semaphore, #tpu.memory_space<semaphore_mem>> -> memref<!tpu.dma_semaphore, #tpu.memory_space<semaphore_mem>>
      tpu.enqueue_indirect_dma source(%dma_start3A_1012 : memref<100000x128xf32, #tpu.memory_space<hbm>>) target(%dma_start3A_1006 : memref<128x128xf32, #tpu.memory_space<vmem>>) offsets(%dma_start3A_1009 : memref<128xi32, #tpu.memory_space<vmem>>) semaphore(%dma_start3A_1014 : memref<!tpu.dma_semaphore, #tpu.memory_space<semaphore_mem>>)
      %jit3A_1015 = arith.constant 5 : i32
      %eq3A_1016 = arith.constant 0 : i32
      %eq3A_1017 = arith.cmpi eq, %jit3A_1015, %eq3A_1016 : i32
      %jit3A_1018 = arith.constant 1 : i32
      %select_n3A_1019 = arith.select %eq3A_1017, %jit3A_1018, %jit3A_1015 : i32
      %rem3A_1020 = arith.remsi %add3A_947, %select_n3A_1019 : i32
      %ne3A_1021 = arith.constant 0 : i32
      %ne3A_1022 = arith.cmpi ne, %rem3A_1020, %ne3A_1021 : i32
      %lt3A_1023 = arith.constant 0 : i32
      %lt3A_1024 = arith.cmpi slt, %rem3A_1020, %lt3A_1023 : i32
      %lt3A_1025 = arith.constant 0 : i32
      %lt3A_1026 = arith.cmpi slt, %select_n3A_1019, %lt3A_1025 : i32
      %ne3A_1027 = arith.xori %lt3A_1024, %lt3A_1026 : i1
      %and3A_1028 = arith.andi %ne3A_1027, %ne3A_1022 : i1
      %add3A_1029 = arith.addi %rem3A_1020, %select_n3A_1019 : i32
      %select_n3A_1030 = arith.select %and3A_1028, %add3A_1029, %rem3A_1020 : i32
      %dma_wait3A_1031 = arith.constant 0 : i32
      %dma_wait3A_1032 = arith.constant 0 : i32
      %dma_wait3A_1033 = arith.constant 0 : i32
      %dma_wait3A_1034 = tpu.memref_slice %arg6[%select_n3A_1030, %dma_wait3A_1032, %dma_wait3A_1033] : memref<5x128x128xf32, #tpu.memory_space<vmem>> -> memref<1x128x128xf32, #tpu.memory_space<vmem>>
      %dma_wait3A_1035 = tpu.memref_squeeze %dma_wait3A_1034 : memref<1x128x128xf32, #tpu.memory_space<vmem>> -> memref<128x128xf32, #tpu.memory_space<vmem>>
      %dma_wait3A_1036 = arith.constant 0 : i32
      %dma_wait3A_1037 = tpu.memref_slice %arg5[%dma_wait3A_1031, %dma_wait3A_1036] : memref<50x128xi32, #tpu.memory_space<vmem>> -> memref<1x128xi32, #tpu.memory_space<vmem>>
      %dma_wait3A_1038 = tpu.memref_squeeze %dma_wait3A_1037 : memref<1x128xi32, #tpu.memory_space<vmem>> -> memref<128xi32, #tpu.memory_space<vmem>>
      %dma_wait3A_1039 = arith.constant 0 : i32
      %dma_wait3A_1040 = arith.constant 0 : i32
      %dma_wait3A_1041 = tpu.memref_slice %arg2[%dma_wait3A_1039, %dma_wait3A_1040] : memref<100000x128xf32, #tpu.memory_space<hbm>> -> memref<100000x128xf32, #tpu.memory_space<hbm>>
      %dma_wait3A_1042 = tpu.memref_slice %arg7[%select_n3A_1030] : memref<5x!tpu.dma_semaphore, #tpu.memory_space<semaphore_mem>> -> memref<1x!tpu.dma_semaphore, #tpu.memory_space<semaphore_mem>>
      %dma_wait3A_1043 = tpu.memref_squeeze %dma_wait3A_1042 : memref<1x!tpu.dma_semaphore, #tpu.memory_space<semaphore_mem>> -> memref<!tpu.dma_semaphore, #tpu.memory_space<semaphore_mem>>
      tpu.wait_indirect_dma semaphore(%dma_wait3A_1043 : memref<!tpu.dma_semaphore, #tpu.memory_space<semaphore_mem>>) src(%dma_wait3A_1041 : memref<100000x128xf32, #tpu.memory_space<hbm>>) dst(%dma_wait3A_1035 : memref<128x128xf32, #tpu.memory_space<vmem>>)
      %jit3A_1044 = arith.constant 5 : i32
      %eq3A_1045 = arith.constant 0 : i32
      %eq3A_1046 = arith.cmpi eq, %jit3A_1044, %eq3A_1045 : i32
      %jit3A_1047 = arith.constant 1 : i32
      %select_n3A_1048 = arith.select %eq3A_1046, %jit3A_1047, %jit3A_1044 : i32
      %rem3A_1049 = arith.remsi %add3A_947, %select_n3A_1048 : i32
      %ne3A_1050 = arith.constant 0 : i32
      %ne3A_1051 = arith.cmpi ne, %rem3A_1049, %ne3A_1050 : i32
      %lt3A_1052 = arith.constant 0 : i32
      %lt3A_1053 = arith.cmpi slt, %rem3A_1049, %lt3A_1052 : i32
      %lt3A_1054 = arith.constant 0 : i32
      %lt3A_1055 = arith.cmpi slt, %select_n3A_1048, %lt3A_1054 : i32
      %ne3A_1056 = arith.xori %lt3A_1053, %lt3A_1055 : i1
      %and3A_1057 = arith.andi %ne3A_1056, %ne3A_1051 : i1
      %add3A_1058 = arith.addi %rem3A_1049, %select_n3A_1048 : i32
      %select_n3A_1059 = arith.select %and3A_1057, %add3A_1058, %rem3A_1049 : i32
      %dma_start3A_1060 = arith.constant 0 : i32
      %dma_start3A_1061 = arith.constant 0 : i32
      %dma_start3A_1062 = tpu.memref_slice %arg6[%select_n3A_1059, %dma_start3A_1060, %dma_start3A_1061] : memref<5x128x128xf32, #tpu.memory_space<vmem>> -> memref<1x128x128xf32, #tpu.memory_space<vmem>>
      %dma_start3A_1063 = tpu.memref_squeeze %dma_start3A_1062 : memref<1x128x128xf32, #tpu.memory_space<vmem>> -> memref<128x128xf32, #tpu.memory_space<vmem>>
      %dma_start3A_1064 = arith.constant 0 : i32
      %dma_start3A_1065 = tpu.memref_slice %arg4[%add3A_947, %mul3A_2, %dma_start3A_1064] : memref<50x4096x128xf32, #tpu.memory_space<hbm>> -> memref<1x128x128xf32, #tpu.memory_space<hbm>>
      %dma_start3A_1066 = tpu.memref_squeeze %dma_start3A_1065 : memref<1x128x128xf32, #tpu.memory_space<hbm>> -> memref<128x128xf32, #tpu.memory_space<hbm>>
      %dma_start3A_1067 = tpu.memref_slice %arg8[%select_n3A_1059] : memref<5x!tpu.dma_semaphore, #tpu.memory_space<semaphore_mem>> -> memref<1x!tpu.dma_semaphore, #tpu.memory_space<semaphore_mem>>
      %dma_start3A_1068 = tpu.memref_squeeze %dma_start3A_1067 : memref<1x!tpu.dma_semaphore, #tpu.memory_space<semaphore_mem>> -> memref<!tpu.dma_semaphore, #tpu.memory_space<semaphore_mem>>
      %dma_start3A_1069 = arith.constant 0 : i32
      %dma_start3A_1070 = tpu.memref_slice %arg4[%add3A_947, %mul3A_2, %dma_start3A_1069] : memref<50x4096x128xf32, #tpu.memory_space<hbm>> -> memref<1x128x128xf32, #tpu.memory_space<hbm>>
      %dma_start3A_1071 = tpu.memref_squeeze %dma_start3A_1070 : memref<1x128x128xf32, #tpu.memory_space<hbm>> -> memref<128x128xf32, #tpu.memory_space<hbm>>
      %dma_start3A_1072 = arith.constant 0 : i32
      %dma_start3A_1073 = arith.constant 0 : i32
      %dma_start3A_1074 = tpu.memref_slice %arg6[%select_n3A_1059, %dma_start3A_1072, %dma_start3A_1073] : memref<5x128x128xf32, #tpu.memory_space<vmem>> -> memref<1x128x128xf32, #tpu.memory_space<vmem>>
      %dma_start3A_1075 = tpu.memref_squeeze %dma_start3A_1074 : memref<1x128x128xf32, #tpu.memory_space<vmem>> -> memref<128x128xf32, #tpu.memory_space<vmem>>
      tpu.enqueue_dma source(%dma_start3A_1075 : memref<128x128xf32, #tpu.memory_space<vmem>>) target(%dma_start3A_1071 : memref<128x128xf32, #tpu.memory_space<hbm>>) target_semaphore(%dma_start3A_1068 : memref<!tpu.dma_semaphore, #tpu.memory_space<semaphore_mem>>)
      %mul3A_1076 = arith.constant 5 : i32
      %mul3A_1077 = arith.muli %scan3A_686, %mul3A_1076 : i32
      %add3A_1078 = arith.constant 3 : i32
      %add3A_1079 = arith.addi %mul3A_1077, %add3A_1078 : i32
      %add3A_1080 = arith.constant 3 : i32
      %add3A_1081 = arith.addi %add3A_1079, %add3A_1080 : i32
      %jit3A_1082 = arith.constant 5 : i32
      %eq3A_1083 = arith.constant 0 : i32
      %eq3A_1084 = arith.cmpi eq, %jit3A_1082, %eq3A_1083 : i32
      %jit3A_1085 = arith.constant 1 : i32
      %select_n3A_1086 = arith.select %eq3A_1084, %jit3A_1085, %jit3A_1082 : i32
      %rem3A_1087 = arith.remsi %add3A_1081, %select_n3A_1086 : i32
      %ne3A_1088 = arith.constant 0 : i32
      %ne3A_1089 = arith.cmpi ne, %rem3A_1087, %ne3A_1088 : i32
      %lt3A_1090 = arith.constant 0 : i32
      %lt3A_1091 = arith.cmpi slt, %rem3A_1087, %lt3A_1090 : i32
      %lt3A_1092 = arith.constant 0 : i32
      %lt3A_1093 = arith.cmpi slt, %select_n3A_1086, %lt3A_1092 : i32
      %ne3A_1094 = arith.xori %lt3A_1091, %lt3A_1093 : i1
      %and3A_1095 = arith.andi %ne3A_1094, %ne3A_1089 : i1
      %add3A_1096 = arith.addi %rem3A_1087, %select_n3A_1086 : i32
      %select_n3A_1097 = arith.select %and3A_1095, %add3A_1096, %rem3A_1087 : i32
      %dma_wait3A_1098 = arith.constant 0 : i32
      %dma_wait3A_1099 = arith.constant 0 : i32
      %dma_wait3A_1100 = arith.constant 0 : i32
      %dma_wait3A_1101 = tpu.memref_slice %arg6[%select_n3A_1097, %dma_wait3A_1099, %dma_wait3A_1100] : memref<5x128x128xf32, #tpu.memory_space<vmem>> -> memref<1x128x128xf32, #tpu.memory_space<vmem>>
      %dma_wait3A_1102 = tpu.memref_squeeze %dma_wait3A_1101 : memref<1x128x128xf32, #tpu.memory_space<vmem>> -> memref<128x128xf32, #tpu.memory_space<vmem>>
      %dma_wait3A_1103 = arith.constant 0 : i32
      %dma_wait3A_1104 = tpu.memref_slice %arg4[%dma_wait3A_1098, %mul3A_2, %dma_wait3A_1103] : memref<50x4096x128xf32, #tpu.memory_space<hbm>> -> memref<1x128x128xf32, #tpu.memory_space<hbm>>
      %dma_wait3A_1105 = tpu.memref_squeeze %dma_wait3A_1104 : memref<1x128x128xf32, #tpu.memory_space<hbm>> -> memref<128x128xf32, #tpu.memory_space<hbm>>
      %dma_wait3A_1106 = tpu.memref_slice %arg8[%select_n3A_1097] : memref<5x!tpu.dma_semaphore, #tpu.memory_space<semaphore_mem>> -> memref<1x!tpu.dma_semaphore, #tpu.memory_space<semaphore_mem>>
      %dma_wait3A_1107 = tpu.memref_squeeze %dma_wait3A_1106 : memref<1x!tpu.dma_semaphore, #tpu.memory_space<semaphore_mem>> -> memref<!tpu.dma_semaphore, #tpu.memory_space<semaphore_mem>>
      %dma_wait3A_1108 = arith.constant 0 : i32
      %dma_wait3A_1109 = tpu.memref_slice %arg4[%dma_wait3A_1098, %mul3A_2, %dma_wait3A_1108] : memref<50x4096x128xf32, #tpu.memory_space<hbm>> -> memref<1x128x128xf32, #tpu.memory_space<hbm>>
      %dma_wait3A_1110 = tpu.memref_squeeze %dma_wait3A_1109 : memref<1x128x128xf32, #tpu.memory_space<hbm>> -> memref<128x128xf32, #tpu.memory_space<hbm>>
      %dma_wait3A_1111 = arith.constant 0 : i32
      %dma_wait3A_1112 = arith.constant 0 : i32
      %dma_wait3A_1113 = tpu.memref_slice %arg6[%select_n3A_1097, %dma_wait3A_1111, %dma_wait3A_1112] : memref<5x128x128xf32, #tpu.memory_space<vmem>> -> memref<1x128x128xf32, #tpu.memory_space<vmem>>
      %dma_wait3A_1114 = tpu.memref_squeeze %dma_wait3A_1113 : memref<1x128x128xf32, #tpu.memory_space<vmem>> -> memref<128x128xf32, #tpu.memory_space<vmem>>
      tpu.wait_dma2 semaphore(%dma_wait3A_1107 : memref<!tpu.dma_semaphore, #tpu.memory_space<semaphore_mem>>) src(%dma_wait3A_1114 : memref<128x128xf32, #tpu.memory_space<vmem>>) dst(%dma_wait3A_1110 : memref<128x128xf32, #tpu.memory_space<hbm>>)
      %add3A_1115 = arith.constant 3 : i32
      %add3A_1116 = arith.addi %add3A_1079, %add3A_1115 : i32
      %add3A_1117 = arith.constant 3 : i32
      %add3A_1118 = arith.addi %add3A_1079, %add3A_1117 : i32
      %jit3A_1119 = arith.constant 5 : i32
      %eq3A_1120 = arith.constant 0 : i32
      %eq3A_1121 = arith.cmpi eq, %jit3A_1119, %eq3A_1120 : i32
      %jit3A_1122 = arith.constant 1 : i32
      %select_n3A_1123 = arith.select %eq3A_1121, %jit3A_1122, %jit3A_1119 : i32
      %rem3A_1124 = arith.remsi %add3A_1118, %select_n3A_1123 : i32
      %ne3A_1125 = arith.constant 0 : i32
      %ne3A_1126 = arith.cmpi ne, %rem3A_1124, %ne3A_1125 : i32
      %lt3A_1127 = arith.constant 0 : i32
      %lt3A_1128 = arith.cmpi slt, %rem3A_1124, %lt3A_1127 : i32
      %lt3A_1129 = arith.constant 0 : i32
      %lt3A_1130 = arith.cmpi slt, %select_n3A_1123, %lt3A_1129 : i32
      %ne3A_1131 = arith.xori %lt3A_1128, %lt3A_1130 : i1
      %and3A_1132 = arith.andi %ne3A_1131, %ne3A_1126 : i1
      %add3A_1133 = arith.addi %rem3A_1124, %select_n3A_1123 : i32
      %select_n3A_1134 = arith.select %and3A_1132, %add3A_1133, %rem3A_1124 : i32
      %dma_start3A_1135 = arith.constant 0 : i32
      %dma_start3A_1136 = arith.constant 0 : i32
      %dma_start3A_1137 = tpu.memref_slice %arg6[%select_n3A_1134, %dma_start3A_1135, %dma_start3A_1136] : memref<5x128x128xf32, #tpu.memory_space<vmem>> -> memref<1x128x128xf32, #tpu.memory_space<vmem>>
      %dma_start3A_1138 = tpu.memref_squeeze %dma_start3A_1137 : memref<1x128x128xf32, #tpu.memory_space<vmem>> -> memref<128x128xf32, #tpu.memory_space<vmem>>
      %dma_start3A_1139 = arith.constant 0 : i32
      %dma_start3A_1140 = tpu.memref_slice %arg5[%add3A_1116, %dma_start3A_1139] : memref<50x128xi32, #tpu.memory_space<vmem>> -> memref<1x128xi32, #tpu.memory_space<vmem>>
      %dma_start3A_1141 = tpu.memref_squeeze %dma_start3A_1140 : memref<1x128xi32, #tpu.memory_space<vmem>> -> memref<128xi32, #tpu.memory_space<vmem>>
      %dma_start3A_1142 = arith.constant 0 : i32
      %dma_start3A_1143 = arith.constant 0 : i32
      %dma_start3A_1144 = tpu.memref_slice %arg2[%dma_start3A_1142, %dma_start3A_1143] : memref<100000x128xf32, #tpu.memory_space<hbm>> -> memref<100000x128xf32, #tpu.memory_space<hbm>>
      %dma_start3A_1145 = tpu.memref_slice %arg7[%select_n3A_1134] : memref<5x!tpu.dma_semaphore, #tpu.memory_space<semaphore_mem>> -> memref<1x!tpu.dma_semaphore, #tpu.memory_space<semaphore_mem>>
      %dma_start3A_1146 = tpu.memref_squeeze %dma_start3A_1145 : memref<1x!tpu.dma_semaphore, #tpu.memory_space<semaphore_mem>> -> memref<!tpu.dma_semaphore, #tpu.memory_space<semaphore_mem>>
      tpu.enqueue_indirect_dma source(%dma_start3A_1144 : memref<100000x128xf32, #tpu.memory_space<hbm>>) target(%dma_start3A_1138 : memref<128x128xf32, #tpu.memory_space<vmem>>) offsets(%dma_start3A_1141 : memref<128xi32, #tpu.memory_space<vmem>>) semaphore(%dma_start3A_1146 : memref<!tpu.dma_semaphore, #tpu.memory_space<semaphore_mem>>)
      %jit3A_1147 = arith.constant 5 : i32
      %eq3A_1148 = arith.constant 0 : i32
      %eq3A_1149 = arith.cmpi eq, %jit3A_1147, %eq3A_1148 : i32
      %jit3A_1150 = arith.constant 1 : i32
      %select_n3A_1151 = arith.select %eq3A_1149, %jit3A_1150, %jit3A_1147 : i32
      %rem3A_1152 = arith.remsi %add3A_1079, %select_n3A_1151 : i32
      %ne3A_1153 = arith.constant 0 : i32
      %ne3A_1154 = arith.cmpi ne, %rem3A_1152, %ne3A_1153 : i32
      %lt3A_1155 = arith.constant 0 : i32
      %lt3A_1156 = arith.cmpi slt, %rem3A_1152, %lt3A_1155 : i32
      %lt3A_1157 = arith.constant 0 : i32
      %lt3A_1158 = arith.cmpi slt, %select_n3A_1151, %lt3A_1157 : i32
      %ne3A_1159 = arith.xori %lt3A_1156, %lt3A_1158 : i1
      %and3A_1160 = arith.andi %ne3A_1159, %ne3A_1154 : i1
      %add3A_1161 = arith.addi %rem3A_1152, %select_n3A_1151 : i32
      %select_n3A_1162 = arith.select %and3A_1160, %add3A_1161, %rem3A_1152 : i32
      %dma_wait3A_1163 = arith.constant 0 : i32
      %dma_wait3A_1164 = arith.constant 0 : i32
      %dma_wait3A_1165 = arith.constant 0 : i32
      %dma_wait3A_1166 = tpu.memref_slice %arg6[%select_n3A_1162, %dma_wait3A_1164, %dma_wait3A_1165] : memref<5x128x128xf32, #tpu.memory_space<vmem>> -> memref<1x128x128xf32, #tpu.memory_space<vmem>>
      %dma_wait3A_1167 = tpu.memref_squeeze %dma_wait3A_1166 : memref<1x128x128xf32, #tpu.memory_space<vmem>> -> memref<128x128xf32, #tpu.memory_space<vmem>>
      %dma_wait3A_1168 = arith.constant 0 : i32
      %dma_wait3A_1169 = tpu.memref_slice %arg5[%dma_wait3A_1163, %dma_wait3A_1168] : memref<50x128xi32, #tpu.memory_space<vmem>> -> memref<1x128xi32, #tpu.memory_space<vmem>>
      %dma_wait3A_1170 = tpu.memref_squeeze %dma_wait3A_1169 : memref<1x128xi32, #tpu.memory_space<vmem>> -> memref<128xi32, #tpu.memory_space<vmem>>
      %dma_wait3A_1171 = arith.constant 0 : i32
      %dma_wait3A_1172 = arith.constant 0 : i32
      %dma_wait3A_1173 = tpu.memref_slice %arg2[%dma_wait3A_1171, %dma_wait3A_1172] : memref<100000x128xf32, #tpu.memory_space<hbm>> -> memref<100000x128xf32, #tpu.memory_space<hbm>>
      %dma_wait3A_1174 = tpu.memref_slice %arg7[%select_n3A_1162] : memref<5x!tpu.dma_semaphore, #tpu.memory_space<semaphore_mem>> -> memref<1x!tpu.dma_semaphore, #tpu.memory_space<semaphore_mem>>
      %dma_wait3A_1175 = tpu.memref_squeeze %dma_wait3A_1174 : memref<1x!tpu.dma_semaphore, #tpu.memory_space<semaphore_mem>> -> memref<!tpu.dma_semaphore, #tpu.memory_space<semaphore_mem>>
      tpu.wait_indirect_dma semaphore(%dma_wait3A_1175 : memref<!tpu.dma_semaphore, #tpu.memory_space<semaphore_mem>>) src(%dma_wait3A_1173 : memref<100000x128xf32, #tpu.memory_space<hbm>>) dst(%dma_wait3A_1167 : memref<128x128xf32, #tpu.memory_space<vmem>>)
      %jit3A_1176 = arith.constant 5 : i32
      %eq3A_1177 = arith.constant 0 : i32
      %eq3A_1178 = arith.cmpi eq, %jit3A_1176, %eq3A_1177 : i32
      %jit3A_1179 = arith.constant 1 : i32
      %select_n3A_1180 = arith.select %eq3A_1178, %jit3A_1179, %jit3A_1176 : i32
      %rem3A_1181 = arith.remsi %add3A_1079, %select_n3A_1180 : i32
      %ne3A_1182 = arith.constant 0 : i32
      %ne3A_1183 = arith.cmpi ne, %rem3A_1181, %ne3A_1182 : i32
      %lt3A_1184 = arith.constant 0 : i32
      %lt3A_1185 = arith.cmpi slt, %rem3A_1181, %lt3A_1184 : i32
      %lt3A_1186 = arith.constant 0 : i32
      %lt3A_1187 = arith.cmpi slt, %select_n3A_1180, %lt3A_1186 : i32
      %ne3A_1188 = arith.xori %lt3A_1185, %lt3A_1187 : i1
      %and3A_1189 = arith.andi %ne3A_1188, %ne3A_1183 : i1
      %add3A_1190 = arith.addi %rem3A_1181, %select_n3A_1180 : i32
      %select_n3A_1191 = arith.select %and3A_1189, %add3A_1190, %rem3A_1181 : i32
      %dma_start3A_1192 = arith.constant 0 : i32
      %dma_start3A_1193 = arith.constant 0 : i32
      %dma_start3A_1194 = tpu.memref_slice %arg6[%select_n3A_1191, %dma_start3A_1192, %dma_start3A_1193] : memref<5x128x128xf32, #tpu.memory_space<vmem>> -> memref<1x128x128xf32, #tpu.memory_space<vmem>>
      %dma_start3A_1195 = tpu.memref_squeeze %dma_start3A_1194 : memref<1x128x128xf32, #tpu.memory_space<vmem>> -> memref<128x128xf32, #tpu.memory_space<vmem>>
      %dma_start3A_1196 = arith.constant 0 : i32
      %dma_start3A_1197 = tpu.memref_slice %arg4[%add3A_1079, %mul3A_2, %dma_start3A_1196] : memref<50x4096x128xf32, #tpu.memory_space<hbm>> -> memref<1x128x128xf32, #tpu.memory_space<hbm>>
      %dma_start3A_1198 = tpu.memref_squeeze %dma_start3A_1197 : memref<1x128x128xf32, #tpu.memory_space<hbm>> -> memref<128x128xf32, #tpu.memory_space<hbm>>
      %dma_start3A_1199 = tpu.memref_slice %arg8[%select_n3A_1191] : memref<5x!tpu.dma_semaphore, #tpu.memory_space<semaphore_mem>> -> memref<1x!tpu.dma_semaphore, #tpu.memory_space<semaphore_mem>>
      %dma_start3A_1200 = tpu.memref_squeeze %dma_start3A_1199 : memref<1x!tpu.dma_semaphore, #tpu.memory_space<semaphore_mem>> -> memref<!tpu.dma_semaphore, #tpu.memory_space<semaphore_mem>>
      %dma_start3A_1201 = arith.constant 0 : i32
      %dma_start3A_1202 = tpu.memref_slice %arg4[%add3A_1079, %mul3A_2, %dma_start3A_1201] : memref<50x4096x128xf32, #tpu.memory_space<hbm>> -> memref<1x128x128xf32, #tpu.memory_space<hbm>>
      %dma_start3A_1203 = tpu.memref_squeeze %dma_start3A_1202 : memref<1x128x128xf32, #tpu.memory_space<hbm>> -> memref<128x128xf32, #tpu.memory_space<hbm>>
      %dma_start3A_1204 = arith.constant 0 : i32
      %dma_start3A_1205 = arith.constant 0 : i32
      %dma_start3A_1206 = tpu.memref_slice %arg6[%select_n3A_1191, %dma_start3A_1204, %dma_start3A_1205] : memref<5x128x128xf32, #tpu.memory_space<vmem>> -> memref<1x128x128xf32, #tpu.memory_space<vmem>>
      %dma_start3A_1207 = tpu.memref_squeeze %dma_start3A_1206 : memref<1x128x128xf32, #tpu.memory_space<vmem>> -> memref<128x128xf32, #tpu.memory_space<vmem>>
      tpu.enqueue_dma source(%dma_start3A_1207 : memref<128x128xf32, #tpu.memory_space<vmem>>) target(%dma_start3A_1203 : memref<128x128xf32, #tpu.memory_space<hbm>>) target_semaphore(%dma_start3A_1200 : memref<!tpu.dma_semaphore, #tpu.memory_space<semaphore_mem>>)
      %mul3A_1208 = arith.constant 5 : i32
      %mul3A_1209 = arith.muli %scan3A_686, %mul3A_1208 : i32
      %add3A_1210 = arith.constant 4 : i32
      %add3A_1211 = arith.addi %mul3A_1209, %add3A_1210 : i32
      %add3A_1212 = arith.constant 3 : i32
      %add3A_1213 = arith.addi %add3A_1211, %add3A_1212 : i32
      %jit3A_1214 = arith.constant 5 : i32
      %eq3A_1215 = arith.constant 0 : i32
      %eq3A_1216 = arith.cmpi eq, %jit3A_1214, %eq3A_1215 : i32
      %jit3A_1217 = arith.constant 1 : i32
      %select_n3A_1218 = arith.select %eq3A_1216, %jit3A_1217, %jit3A_1214 : i32
      %rem3A_1219 = arith.remsi %add3A_1213, %select_n3A_1218 : i32
      %ne3A_1220 = arith.constant 0 : i32
      %ne3A_1221 = arith.cmpi ne, %rem3A_1219, %ne3A_1220 : i32
      %lt3A_1222 = arith.constant 0 : i32
      %lt3A_1223 = arith.cmpi slt, %rem3A_1219, %lt3A_1222 : i32
      %lt3A_1224 = arith.constant 0 : i32
      %lt3A_1225 = arith.cmpi slt, %select_n3A_1218, %lt3A_1224 : i32
      %ne3A_1226 = arith.xori %lt3A_1223, %lt3A_1225 : i1
      %and3A_1227 = arith.andi %ne3A_1226, %ne3A_1221 : i1
      %add3A_1228 = arith.addi %rem3A_1219, %select_n3A_1218 : i32
      %select_n3A_1229 = arith.select %and3A_1227, %add3A_1228, %rem3A_1219 : i32
      %dma_wait3A_1230 = arith.constant 0 : i32
      %dma_wait3A_1231 = arith.constant 0 : i32
      %dma_wait3A_1232 = arith.constant 0 : i32
      %dma_wait3A_1233 = tpu.memref_slice %arg6[%select_n3A_1229, %dma_wait3A_1231, %dma_wait3A_1232] : memref<5x128x128xf32, #tpu.memory_space<vmem>> -> memref<1x128x128xf32, #tpu.memory_space<vmem>>
      %dma_wait3A_1234 = tpu.memref_squeeze %dma_wait3A_1233 : memref<1x128x128xf32, #tpu.memory_space<vmem>> -> memref<128x128xf32, #tpu.memory_space<vmem>>
      %dma_wait3A_1235 = arith.constant 0 : i32
      %dma_wait3A_1236 = tpu.memref_slice %arg4[%dma_wait3A_1230, %mul3A_2, %dma_wait3A_1235] : memref<50x4096x128xf32, #tpu.memory_space<hbm>> -> memref<1x128x128xf32, #tpu.memory_space<hbm>>
      %dma_wait3A_1237 = tpu.memref_squeeze %dma_wait3A_1236 : memref<1x128x128xf32, #tpu.memory_space<hbm>> -> memref<128x128xf32, #tpu.memory_space<hbm>>
      %dma_wait3A_1238 = tpu.memref_slice %arg8[%select_n3A_1229] : memref<5x!tpu.dma_semaphore, #tpu.memory_space<semaphore_mem>> -> memref<1x!tpu.dma_semaphore, #tpu.memory_space<semaphore_mem>>
      %dma_wait3A_1239 = tpu.memref_squeeze %dma_wait3A_1238 : memref<1x!tpu.dma_semaphore, #tpu.memory_space<semaphore_mem>> -> memref<!tpu.dma_semaphore, #tpu.memory_space<semaphore_mem>>
      %dma_wait3A_1240 = arith.constant 0 : i32
      %dma_wait3A_1241 = tpu.memref_slice %arg4[%dma_wait3A_1230, %mul3A_2, %dma_wait3A_1240] : memref<50x4096x128xf32, #tpu.memory_space<hbm>> -> memref<1x128x128xf32, #tpu.memory_space<hbm>>
      %dma_wait3A_1242 = tpu.memref_squeeze %dma_wait3A_1241 : memref<1x128x128xf32, #tpu.memory_space<hbm>> -> memref<128x128xf32, #tpu.memory_space<hbm>>
      %dma_wait3A_1243 = arith.constant 0 : i32
      %dma_wait3A_1244 = arith.constant 0 : i32
      %dma_wait3A_1245 = tpu.memref_slice %arg6[%select_n3A_1229, %dma_wait3A_1243, %dma_wait3A_1244] : memref<5x128x128xf32, #tpu.memory_space<vmem>> -> memref<1x128x128xf32, #tpu.memory_space<vmem>>
      %dma_wait3A_1246 = tpu.memref_squeeze %dma_wait3A_1245 : memref<1x128x128xf32, #tpu.memory_space<vmem>> -> memref<128x128xf32, #tpu.memory_space<vmem>>
      tpu.wait_dma2 semaphore(%dma_wait3A_1239 : memref<!tpu.dma_semaphore, #tpu.memory_space<semaphore_mem>>) src(%dma_wait3A_1246 : memref<128x128xf32, #tpu.memory_space<vmem>>) dst(%dma_wait3A_1242 : memref<128x128xf32, #tpu.memory_space<hbm>>)
      %add3A_1247 = arith.constant 3 : i32
      %add3A_1248 = arith.addi %add3A_1211, %add3A_1247 : i32
      %add3A_1249 = arith.constant 3 : i32
      %add3A_1250 = arith.addi %add3A_1211, %add3A_1249 : i32
      %jit3A_1251 = arith.constant 5 : i32
      %eq3A_1252 = arith.constant 0 : i32
      %eq3A_1253 = arith.cmpi eq, %jit3A_1251, %eq3A_1252 : i32
      %jit3A_1254 = arith.constant 1 : i32
      %select_n3A_1255 = arith.select %eq3A_1253, %jit3A_1254, %jit3A_1251 : i32
      %rem3A_1256 = arith.remsi %add3A_1250, %select_n3A_1255 : i32
      %ne3A_1257 = arith.constant 0 : i32
      %ne3A_1258 = arith.cmpi ne, %rem3A_1256, %ne3A_1257 : i32
      %lt3A_1259 = arith.constant 0 : i32
      %lt3A_1260 = arith.cmpi slt, %rem3A_1256, %lt3A_1259 : i32
      %lt3A_1261 = arith.constant 0 : i32
      %lt3A_1262 = arith.cmpi slt, %select_n3A_1255, %lt3A_1261 : i32
      %ne3A_1263 = arith.xori %lt3A_1260, %lt3A_1262 : i1
      %and3A_1264 = arith.andi %ne3A_1263, %ne3A_1258 : i1
      %add3A_1265 = arith.addi %rem3A_1256, %select_n3A_1255 : i32
      %select_n3A_1266 = arith.select %and3A_1264, %add3A_1265, %rem3A_1256 : i32
      %dma_start3A_1267 = arith.constant 0 : i32
      %dma_start3A_1268 = arith.constant 0 : i32
      %dma_start3A_1269 = tpu.memref_slice %arg6[%select_n3A_1266, %dma_start3A_1267, %dma_start3A_1268] : memref<5x128x128xf32, #tpu.memory_space<vmem>> -> memref<1x128x128xf32, #tpu.memory_space<vmem>>
      %dma_start3A_1270 = tpu.memref_squeeze %dma_start3A_1269 : memref<1x128x128xf32, #tpu.memory_space<vmem>> -> memref<128x128xf32, #tpu.memory_space<vmem>>
      %dma_start3A_1271 = arith.constant 0 : i32
      %dma_start3A_1272 = tpu.memref_slice %arg5[%add3A_1248, %dma_start3A_1271] : memref<50x128xi32, #tpu.memory_space<vmem>> -> memref<1x128xi32, #tpu.memory_space<vmem>>
      %dma_start3A_1273 = tpu.memref_squeeze %dma_start3A_1272 : memref<1x128xi32, #tpu.memory_space<vmem>> -> memref<128xi32, #tpu.memory_space<vmem>>
      %dma_start3A_1274 = arith.constant 0 : i32
      %dma_start3A_1275 = arith.constant 0 : i32
      %dma_start3A_1276 = tpu.memref_slice %arg2[%dma_start3A_1274, %dma_start3A_1275] : memref<100000x128xf32, #tpu.memory_space<hbm>> -> memref<100000x128xf32, #tpu.memory_space<hbm>>
      %dma_start3A_1277 = tpu.memref_slice %arg7[%select_n3A_1266] : memref<5x!tpu.dma_semaphore, #tpu.memory_space<semaphore_mem>> -> memref<1x!tpu.dma_semaphore, #tpu.memory_space<semaphore_mem>>
      %dma_start3A_1278 = tpu.memref_squeeze %dma_start3A_1277 : memref<1x!tpu.dma_semaphore, #tpu.memory_space<semaphore_mem>> -> memref<!tpu.dma_semaphore, #tpu.memory_space<semaphore_mem>>
      tpu.enqueue_indirect_dma source(%dma_start3A_1276 : memref<100000x128xf32, #tpu.memory_space<hbm>>) target(%dma_start3A_1270 : memref<128x128xf32, #tpu.memory_space<vmem>>) offsets(%dma_start3A_1273 : memref<128xi32, #tpu.memory_space<vmem>>) semaphore(%dma_start3A_1278 : memref<!tpu.dma_semaphore, #tpu.memory_space<semaphore_mem>>)
      %jit3A_1279 = arith.constant 5 : i32
      %eq3A_1280 = arith.constant 0 : i32
      %eq3A_1281 = arith.cmpi eq, %jit3A_1279, %eq3A_1280 : i32
      %jit3A_1282 = arith.constant 1 : i32
      %select_n3A_1283 = arith.select %eq3A_1281, %jit3A_1282, %jit3A_1279 : i32
      %rem3A_1284 = arith.remsi %add3A_1211, %select_n3A_1283 : i32
      %ne3A_1285 = arith.constant 0 : i32
      %ne3A_1286 = arith.cmpi ne, %rem3A_1284, %ne3A_1285 : i32
      %lt3A_1287 = arith.constant 0 : i32
      %lt3A_1288 = arith.cmpi slt, %rem3A_1284, %lt3A_1287 : i32
      %lt3A_1289 = arith.constant 0 : i32
      %lt3A_1290 = arith.cmpi slt, %select_n3A_1283, %lt3A_1289 : i32
      %ne3A_1291 = arith.xori %lt3A_1288, %lt3A_1290 : i1
      %and3A_1292 = arith.andi %ne3A_1291, %ne3A_1286 : i1
      %add3A_1293 = arith.addi %rem3A_1284, %select_n3A_1283 : i32
      %select_n3A_1294 = arith.select %and3A_1292, %add3A_1293, %rem3A_1284 : i32
      %dma_wait3A_1295 = arith.constant 0 : i32
      %dma_wait3A_1296 = arith.constant 0 : i32
      %dma_wait3A_1297 = arith.constant 0 : i32
      %dma_wait3A_1298 = tpu.memref_slice %arg6[%select_n3A_1294, %dma_wait3A_1296, %dma_wait3A_1297] : memref<5x128x128xf32, #tpu.memory_space<vmem>> -> memref<1x128x128xf32, #tpu.memory_space<vmem>>
      %dma_wait3A_1299 = tpu.memref_squeeze %dma_wait3A_1298 : memref<1x128x128xf32, #tpu.memory_space<vmem>> -> memref<128x128xf32, #tpu.memory_space<vmem>>
      %dma_wait3A_1300 = arith.constant 0 : i32
      %dma_wait3A_1301 = tpu.memref_slice %arg5[%dma_wait3A_1295, %dma_wait3A_1300] : memref<50x128xi32, #tpu.memory_space<vmem>> -> memref<1x128xi32, #tpu.memory_space<vmem>>
      %dma_wait3A_1302 = tpu.memref_squeeze %dma_wait3A_1301 : memref<1x128xi32, #tpu.memory_space<vmem>> -> memref<128xi32, #tpu.memory_space<vmem>>
      %dma_wait3A_1303 = arith.constant 0 : i32
      %dma_wait3A_1304 = arith.constant 0 : i32
      %dma_wait3A_1305 = tpu.memref_slice %arg2[%dma_wait3A_1303, %dma_wait3A_1304] : memref<100000x128xf32, #tpu.memory_space<hbm>> -> memref<100000x128xf32, #tpu.memory_space<hbm>>
      %dma_wait3A_1306 = tpu.memref_slice %arg7[%select_n3A_1294] : memref<5x!tpu.dma_semaphore, #tpu.memory_space<semaphore_mem>> -> memref<1x!tpu.dma_semaphore, #tpu.memory_space<semaphore_mem>>
      %dma_wait3A_1307 = tpu.memref_squeeze %dma_wait3A_1306 : memref<1x!tpu.dma_semaphore, #tpu.memory_space<semaphore_mem>> -> memref<!tpu.dma_semaphore, #tpu.memory_space<semaphore_mem>>
      tpu.wait_indirect_dma semaphore(%dma_wait3A_1307 : memref<!tpu.dma_semaphore, #tpu.memory_space<semaphore_mem>>) src(%dma_wait3A_1305 : memref<100000x128xf32, #tpu.memory_space<hbm>>) dst(%dma_wait3A_1299 : memref<128x128xf32, #tpu.memory_space<vmem>>)
      %jit3A_1308 = arith.constant 5 : i32
      %eq3A_1309 = arith.constant 0 : i32
      %eq3A_1310 = arith.cmpi eq, %jit3A_1308, %eq3A_1309 : i32
      %jit3A_1311 = arith.constant 1 : i32
      %select_n3A_1312 = arith.select %eq3A_1310, %jit3A_1311, %jit3A_1308 : i32
      %rem3A_1313 = arith.remsi %add3A_1211, %select_n3A_1312 : i32
      %ne3A_1314 = arith.constant 0 : i32
      %ne3A_1315 = arith.cmpi ne, %rem3A_1313, %ne3A_1314 : i32
      %lt3A_1316 = arith.constant 0 : i32
      %lt3A_1317 = arith.cmpi slt, %rem3A_1313, %lt3A_1316 : i32
      %lt3A_1318 = arith.constant 0 : i32
      %lt3A_1319 = arith.cmpi slt, %select_n3A_1312, %lt3A_1318 : i32
      %ne3A_1320 = arith.xori %lt3A_1317, %lt3A_1319 : i1
      %and3A_1321 = arith.andi %ne3A_1320, %ne3A_1315 : i1
      %add3A_1322 = arith.addi %rem3A_1313, %select_n3A_1312 : i32
      %select_n3A_1323 = arith.select %and3A_1321, %add3A_1322, %rem3A_1313 : i32
      %dma_start3A_1324 = arith.constant 0 : i32
      %dma_start3A_1325 = arith.constant 0 : i32
      %dma_start3A_1326 = tpu.memref_slice %arg6[%select_n3A_1323, %dma_start3A_1324, %dma_start3A_1325] : memref<5x128x128xf32, #tpu.memory_space<vmem>> -> memref<1x128x128xf32, #tpu.memory_space<vmem>>
      %dma_start3A_1327 = tpu.memref_squeeze %dma_start3A_1326 : memref<1x128x128xf32, #tpu.memory_space<vmem>> -> memref<128x128xf32, #tpu.memory_space<vmem>>
      %dma_start3A_1328 = arith.constant 0 : i32
      %dma_start3A_1329 = tpu.memref_slice %arg4[%add3A_1211, %mul3A_2, %dma_start3A_1328] : memref<50x4096x128xf32, #tpu.memory_space<hbm>> -> memref<1x128x128xf32, #tpu.memory_space<hbm>>
      %dma_start3A_1330 = tpu.memref_squeeze %dma_start3A_1329 : memref<1x128x128xf32, #tpu.memory_space<hbm>> -> memref<128x128xf32, #tpu.memory_space<hbm>>
      %dma_start3A_1331 = tpu.memref_slice %arg8[%select_n3A_1323] : memref<5x!tpu.dma_semaphore, #tpu.memory_space<semaphore_mem>> -> memref<1x!tpu.dma_semaphore, #tpu.memory_space<semaphore_mem>>
      %dma_start3A_1332 = tpu.memref_squeeze %dma_start3A_1331 : memref<1x!tpu.dma_semaphore, #tpu.memory_space<semaphore_mem>> -> memref<!tpu.dma_semaphore, #tpu.memory_space<semaphore_mem>>
      %dma_start3A_1333 = arith.constant 0 : i32
      %dma_start3A_1334 = tpu.memref_slice %arg4[%add3A_1211, %mul3A_2, %dma_start3A_1333] : memref<50x4096x128xf32, #tpu.memory_space<hbm>> -> memref<1x128x128xf32, #tpu.memory_space<hbm>>
      %dma_start3A_1335 = tpu.memref_squeeze %dma_start3A_1334 : memref<1x128x128xf32, #tpu.memory_space<hbm>> -> memref<128x128xf32, #tpu.memory_space<hbm>>
      %dma_start3A_1336 = arith.constant 0 : i32
      %dma_start3A_1337 = arith.constant 0 : i32
      %dma_start3A_1338 = tpu.memref_slice %arg6[%select_n3A_1323, %dma_start3A_1336, %dma_start3A_1337] : memref<5x128x128xf32, #tpu.memory_space<vmem>> -> memref<1x128x128xf32, #tpu.memory_space<vmem>>
      %dma_start3A_1339 = tpu.memref_squeeze %dma_start3A_1338 : memref<1x128x128xf32, #tpu.memory_space<vmem>> -> memref<128x128xf32, #tpu.memory_space<vmem>>
      tpu.enqueue_dma source(%dma_start3A_1339 : memref<128x128xf32, #tpu.memory_space<vmem>>) target(%dma_start3A_1335 : memref<128x128xf32, #tpu.memory_space<hbm>>) target_semaphore(%dma_start3A_1332 : memref<!tpu.dma_semaphore, #tpu.memory_space<semaphore_mem>>)
    }
    %scan3A_352 = arith.constant 8 : i32
    %dma_wait3A_353 = arith.constant 3 : i32
    %dma_wait3A_354 = arith.constant 0 : i32
    %dma_wait3A_355 = arith.constant 3 : i32
    %dma_wait3A_356 = arith.constant 0 : i32
    %dma_wait3A_357 = arith.constant 0 : i32
    %dma_wait3A_358 = tpu.memref_slice %arg6[%dma_wait3A_353, %dma_wait3A_356, %dma_wait3A_357] : memref<5x128x128xf32, #tpu.memory_space<vmem>> -> memref<1x128x128xf32, #tpu.memory_space<vmem>>
    %dma_wait3A_359 = tpu.memref_squeeze %dma_wait3A_358 : memref<1x128x128xf32, #tpu.memory_space<vmem>> -> memref<128x128xf32, #tpu.memory_space<vmem>>
    %dma_wait3A_360 = arith.constant 0 : i32
    %dma_wait3A_361 = tpu.memref_slice %arg4[%dma_wait3A_354, %mul3A_2, %dma_wait3A_360] : memref<50x4096x128xf32, #tpu.memory_space<hbm>> -> memref<1x128x128xf32, #tpu.memory_space<hbm>>
    %dma_wait3A_362 = tpu.memref_squeeze %dma_wait3A_361 : memref<1x128x128xf32, #tpu.memory_space<hbm>> -> memref<128x128xf32, #tpu.memory_space<hbm>>
    %dma_wait3A_363 = tpu.memref_slice %arg8[%dma_wait3A_355] : memref<5x!tpu.dma_semaphore, #tpu.memory_space<semaphore_mem>> -> memref<1x!tpu.dma_semaphore, #tpu.memory_space<semaphore_mem>>
    %dma_wait3A_364 = tpu.memref_squeeze %dma_wait3A_363 : memref<1x!tpu.dma_semaphore, #tpu.memory_space<semaphore_mem>> -> memref<!tpu.dma_semaphore, #tpu.memory_space<semaphore_mem>>
    %dma_wait3A_365 = arith.constant 0 : i32
    %dma_wait3A_366 = tpu.memref_slice %arg4[%dma_wait3A_354, %mul3A_2, %dma_wait3A_365] : memref<50x4096x128xf32, #tpu.memory_space<hbm>> -> memref<1x128x128xf32, #tpu.memory_space<hbm>>
    %dma_wait3A_367 = tpu.memref_squeeze %dma_wait3A_366 : memref<1x128x128xf32, #tpu.memory_space<hbm>> -> memref<128x128xf32, #tpu.memory_space<hbm>>
    %dma_wait3A_368 = arith.constant 0 : i32
    %dma_wait3A_369 = arith.constant 0 : i32
    %dma_wait3A_370 = tpu.memref_slice %arg6[%dma_wait3A_353, %dma_wait3A_368, %dma_wait3A_369] : memref<5x128x128xf32, #tpu.memory_space<vmem>> -> memref<1x128x128xf32, #tpu.memory_space<vmem>>
    %dma_wait3A_371 = tpu.memref_squeeze %dma_wait3A_370 : memref<1x128x128xf32, #tpu.memory_space<vmem>> -> memref<128x128xf32, #tpu.memory_space<vmem>>
    tpu.wait_dma2 semaphore(%dma_wait3A_364 : memref<!tpu.dma_semaphore, #tpu.memory_space<semaphore_mem>>) src(%dma_wait3A_371 : memref<128x128xf32, #tpu.memory_space<vmem>>) dst(%dma_wait3A_367 : memref<128x128xf32, #tpu.memory_space<hbm>>)
    %dma_start3A_372 = arith.constant 48 : i32
    %dma_start3A_373 = arith.constant 3 : i32
    %dma_start3A_374 = arith.constant 3 : i32
    %dma_start3A_375 = arith.constant 0 : i32
    %dma_start3A_376 = arith.constant 0 : i32
    %dma_start3A_377 = tpu.memref_slice %arg6[%dma_start3A_373, %dma_start3A_375, %dma_start3A_376] : memref<5x128x128xf32, #tpu.memory_space<vmem>> -> memref<1x128x128xf32, #tpu.memory_space<vmem>>
    %dma_start3A_378 = tpu.memref_squeeze %dma_start3A_377 : memref<1x128x128xf32, #tpu.memory_space<vmem>> -> memref<128x128xf32, #tpu.memory_space<vmem>>
    %dma_start3A_379 = arith.constant 0 : i32
    %dma_start3A_380 = tpu.memref_slice %arg5[%dma_start3A_372, %dma_start3A_379] : memref<50x128xi32, #tpu.memory_space<vmem>> -> memref<1x128xi32, #tpu.memory_space<vmem>>
    %dma_start3A_381 = tpu.memref_squeeze %dma_start3A_380 : memref<1x128xi32, #tpu.memory_space<vmem>> -> memref<128xi32, #tpu.memory_space<vmem>>
    %dma_start3A_382 = arith.constant 0 : i32
    %dma_start3A_383 = arith.constant 0 : i32
    %dma_start3A_384 = tpu.memref_slice %arg2[%dma_start3A_382, %dma_start3A_383] : memref<100000x128xf32, #tpu.memory_space<hbm>> -> memref<100000x128xf32, #tpu.memory_space<hbm>>
    %dma_start3A_385 = tpu.memref_slice %arg7[%dma_start3A_374] : memref<5x!tpu.dma_semaphore, #tpu.memory_space<semaphore_mem>> -> memref<1x!tpu.dma_semaphore, #tpu.memory_space<semaphore_mem>>
    %dma_start3A_386 = tpu.memref_squeeze %dma_start3A_385 : memref<1x!tpu.dma_semaphore, #tpu.memory_space<semaphore_mem>> -> memref<!tpu.dma_semaphore, #tpu.memory_space<semaphore_mem>>
    tpu.enqueue_indirect_dma source(%dma_start3A_384 : memref<100000x128xf32, #tpu.memory_space<hbm>>) target(%dma_start3A_378 : memref<128x128xf32, #tpu.memory_space<vmem>>) offsets(%dma_start3A_381 : memref<128xi32, #tpu.memory_space<vmem>>) semaphore(%dma_start3A_386 : memref<!tpu.dma_semaphore, #tpu.memory_space<semaphore_mem>>)
    %dma_wait3A_387 = arith.constant 0 : i32
    %dma_wait3A_388 = arith.constant 0 : i32
    %dma_wait3A_389 = arith.constant 0 : i32
    %dma_wait3A_390 = arith.constant 0 : i32
    %dma_wait3A_391 = arith.constant 0 : i32
    %dma_wait3A_392 = tpu.memref_slice %arg6[%dma_wait3A_388, %dma_wait3A_390, %dma_wait3A_391] : memref<5x128x128xf32, #tpu.memory_space<vmem>> -> memref<1x128x128xf32, #tpu.memory_space<vmem>>
    %dma_wait3A_393 = tpu.memref_squeeze %dma_wait3A_392 : memref<1x128x128xf32, #tpu.memory_space<vmem>> -> memref<128x128xf32, #tpu.memory_space<vmem>>
    %dma_wait3A_394 = arith.constant 0 : i32
    %dma_wait3A_395 = tpu.memref_slice %arg5[%dma_wait3A_387, %dma_wait3A_394] : memref<50x128xi32, #tpu.memory_space<vmem>> -> memref<1x128xi32, #tpu.memory_space<vmem>>
    %dma_wait3A_396 = tpu.memref_squeeze %dma_wait3A_395 : memref<1x128xi32, #tpu.memory_space<vmem>> -> memref<128xi32, #tpu.memory_space<vmem>>
    %dma_wait3A_397 = arith.constant 0 : i32
    %dma_wait3A_398 = arith.constant 0 : i32
    %dma_wait3A_399 = tpu.memref_slice %arg2[%dma_wait3A_397, %dma_wait3A_398] : memref<100000x128xf32, #tpu.memory_space<hbm>> -> memref<100000x128xf32, #tpu.memory_space<hbm>>
    %dma_wait3A_400 = tpu.memref_slice %arg7[%dma_wait3A_389] : memref<5x!tpu.dma_semaphore, #tpu.memory_space<semaphore_mem>> -> memref<1x!tpu.dma_semaphore, #tpu.memory_space<semaphore_mem>>
    %dma_wait3A_401 = tpu.memref_squeeze %dma_wait3A_400 : memref<1x!tpu.dma_semaphore, #tpu.memory_space<semaphore_mem>> -> memref<!tpu.dma_semaphore, #tpu.memory_space<semaphore_mem>>
    tpu.wait_indirect_dma semaphore(%dma_wait3A_401 : memref<!tpu.dma_semaphore, #tpu.memory_space<semaphore_mem>>) src(%dma_wait3A_399 : memref<100000x128xf32, #tpu.memory_space<hbm>>) dst(%dma_wait3A_393 : memref<128x128xf32, #tpu.memory_space<vmem>>)
    %dma_start3A_402 = arith.constant 0 : i32
    %dma_start3A_403 = arith.constant 45 : i32
    %dma_start3A_404 = arith.constant 0 : i32
    %dma_start3A_405 = arith.constant 0 : i32
    %dma_start3A_406 = arith.constant 0 : i32
    %dma_start3A_407 = tpu.memref_slice %arg6[%dma_start3A_402, %dma_start3A_405, %dma_start3A_406] : memref<5x128x128xf32, #tpu.memory_space<vmem>> -> memref<1x128x128xf32, #tpu.memory_space<vmem>>
    %dma_start3A_408 = tpu.memref_squeeze %dma_start3A_407 : memref<1x128x128xf32, #tpu.memory_space<vmem>> -> memref<128x128xf32, #tpu.memory_space<vmem>>
    %dma_start3A_409 = arith.constant 0 : i32
    %dma_start3A_410 = tpu.memref_slice %arg4[%dma_start3A_403, %mul3A_2, %dma_start3A_409] : memref<50x4096x128xf32, #tpu.memory_space<hbm>> -> memref<1x128x128xf32, #tpu.memory_space<hbm>>
    %dma_start3A_411 = tpu.memref_squeeze %dma_start3A_410 : memref<1x128x128xf32, #tpu.memory_space<hbm>> -> memref<128x128xf32, #tpu.memory_space<hbm>>
    %dma_start3A_412 = tpu.memref_slice %arg8[%dma_start3A_404] : memref<5x!tpu.dma_semaphore, #tpu.memory_space<semaphore_mem>> -> memref<1x!tpu.dma_semaphore, #tpu.memory_space<semaphore_mem>>
    %dma_start3A_413 = tpu.memref_squeeze %dma_start3A_412 : memref<1x!tpu.dma_semaphore, #tpu.memory_space<semaphore_mem>> -> memref<!tpu.dma_semaphore, #tpu.memory_space<semaphore_mem>>
    %dma_start3A_414 = arith.constant 0 : i32
    %dma_start3A_415 = tpu.memref_slice %arg4[%dma_start3A_403, %mul3A_2, %dma_start3A_414] : memref<50x4096x128xf32, #tpu.memory_space<hbm>> -> memref<1x128x128xf32, #tpu.memory_space<hbm>>
    %dma_start3A_416 = tpu.memref_squeeze %dma_start3A_415 : memref<1x128x128xf32, #tpu.memory_space<hbm>> -> memref<128x128xf32, #tpu.memory_space<hbm>>
    %dma_start3A_417 = arith.constant 0 : i32
    %dma_start3A_418 = arith.constant 0 : i32
    %dma_start3A_419 = tpu.memref_slice %arg6[%dma_start3A_402, %dma_start3A_417, %dma_start3A_418] : memref<5x128x128xf32, #tpu.memory_space<vmem>> -> memref<1x128x128xf32, #tpu.memory_space<vmem>>
    %dma_start3A_420 = tpu.memref_squeeze %dma_start3A_419 : memref<1x128x128xf32, #tpu.memory_space<vmem>> -> memref<128x128xf32, #tpu.memory_space<vmem>>
    tpu.enqueue_dma source(%dma_start3A_420 : memref<128x128xf32, #tpu.memory_space<vmem>>) target(%dma_start3A_416 : memref<128x128xf32, #tpu.memory_space<hbm>>) target_semaphore(%dma_start3A_413 : memref<!tpu.dma_semaphore, #tpu.memory_space<semaphore_mem>>)
    %dma_wait3A_421 = arith.constant 4 : i32
    %dma_wait3A_422 = arith.constant 0 : i32
    %dma_wait3A_423 = arith.constant 4 : i32
    %dma_wait3A_424 = arith.constant 0 : i32
    %dma_wait3A_425 = arith.constant 0 : i32
    %dma_wait3A_426 = tpu.memref_slice %arg6[%dma_wait3A_421, %dma_wait3A_424, %dma_wait3A_425] : memref<5x128x128xf32, #tpu.memory_space<vmem>> -> memref<1x128x128xf32, #tpu.memory_space<vmem>>
    %dma_wait3A_427 = tpu.memref_squeeze %dma_wait3A_426 : memref<1x128x128xf32, #tpu.memory_space<vmem>> -> memref<128x128xf32, #tpu.memory_space<vmem>>
    %dma_wait3A_428 = arith.constant 0 : i32
    %dma_wait3A_429 = tpu.memref_slice %arg4[%dma_wait3A_422, %mul3A_2, %dma_wait3A_428] : memref<50x4096x128xf32, #tpu.memory_space<hbm>> -> memref<1x128x128xf32, #tpu.memory_space<hbm>>
    %dma_wait3A_430 = tpu.memref_squeeze %dma_wait3A_429 : memref<1x128x128xf32, #tpu.memory_space<hbm>> -> memref<128x128xf32, #tpu.memory_space<hbm>>
    %dma_wait3A_431 = tpu.memref_slice %arg8[%dma_wait3A_423] : memref<5x!tpu.dma_semaphore, #tpu.memory_space<semaphore_mem>> -> memref<1x!tpu.dma_semaphore, #tpu.memory_space<semaphore_mem>>
    %dma_wait3A_432 = tpu.memref_squeeze %dma_wait3A_431 : memref<1x!tpu.dma_semaphore, #tpu.memory_space<semaphore_mem>> -> memref<!tpu.dma_semaphore, #tpu.memory_space<semaphore_mem>>
    %dma_wait3A_433 = arith.constant 0 : i32
    %dma_wait3A_434 = tpu.memref_slice %arg4[%dma_wait3A_422, %mul3A_2, %dma_wait3A_433] : memref<50x4096x128xf32, #tpu.memory_space<hbm>> -> memref<1x128x128xf32, #tpu.memory_space<hbm>>
    %dma_wait3A_435 = tpu.memref_squeeze %dma_wait3A_434 : memref<1x128x128xf32, #tpu.memory_space<hbm>> -> memref<128x128xf32, #tpu.memory_space<hbm>>
    %dma_wait3A_436 = arith.constant 0 : i32
    %dma_wait3A_437 = arith.constant 0 : i32
    %dma_wait3A_438 = tpu.memref_slice %arg6[%dma_wait3A_421, %dma_wait3A_436, %dma_wait3A_437] : memref<5x128x128xf32, #tpu.memory_space<vmem>> -> memref<1x128x128xf32, #tpu.memory_space<vmem>>
    %dma_wait3A_439 = tpu.memref_squeeze %dma_wait3A_438 : memref<1x128x128xf32, #tpu.memory_space<vmem>> -> memref<128x128xf32, #tpu.memory_space<vmem>>
    tpu.wait_dma2 semaphore(%dma_wait3A_432 : memref<!tpu.dma_semaphore, #tpu.memory_space<semaphore_mem>>) src(%dma_wait3A_439 : memref<128x128xf32, #tpu.memory_space<vmem>>) dst(%dma_wait3A_435 : memref<128x128xf32, #tpu.memory_space<hbm>>)
    %dma_start3A_440 = arith.constant 49 : i32
    %dma_start3A_441 = arith.constant 4 : i32
    %dma_start3A_442 = arith.constant 4 : i32
    %dma_start3A_443 = arith.constant 0 : i32
    %dma_start3A_444 = arith.constant 0 : i32
    %dma_start3A_445 = tpu.memref_slice %arg6[%dma_start3A_441, %dma_start3A_443, %dma_start3A_444] : memref<5x128x128xf32, #tpu.memory_space<vmem>> -> memref<1x128x128xf32, #tpu.memory_space<vmem>>
    %dma_start3A_446 = tpu.memref_squeeze %dma_start3A_445 : memref<1x128x128xf32, #tpu.memory_space<vmem>> -> memref<128x128xf32, #tpu.memory_space<vmem>>
    %dma_start3A_447 = arith.constant 0 : i32
    %dma_start3A_448 = tpu.memref_slice %arg5[%dma_start3A_440, %dma_start3A_447] : memref<50x128xi32, #tpu.memory_space<vmem>> -> memref<1x128xi32, #tpu.memory_space<vmem>>
    %dma_start3A_449 = tpu.memref_squeeze %dma_start3A_448 : memref<1x128xi32, #tpu.memory_space<vmem>> -> memref<128xi32, #tpu.memory_space<vmem>>
    %dma_start3A_450 = arith.constant 0 : i32
    %dma_start3A_451 = arith.constant 0 : i32
    %dma_start3A_452 = tpu.memref_slice %arg2[%dma_start3A_450, %dma_start3A_451] : memref<100000x128xf32, #tpu.memory_space<hbm>> -> memref<100000x128xf32, #tpu.memory_space<hbm>>
    %dma_start3A_453 = tpu.memref_slice %arg7[%dma_start3A_442] : memref<5x!tpu.dma_semaphore, #tpu.memory_space<semaphore_mem>> -> memref<1x!tpu.dma_semaphore, #tpu.memory_space<semaphore_mem>>
    %dma_start3A_454 = tpu.memref_squeeze %dma_start3A_453 : memref<1x!tpu.dma_semaphore, #tpu.memory_space<semaphore_mem>> -> memref<!tpu.dma_semaphore, #tpu.memory_space<semaphore_mem>>
    tpu.enqueue_indirect_dma source(%dma_start3A_452 : memref<100000x128xf32, #tpu.memory_space<hbm>>) target(%dma_start3A_446 : memref<128x128xf32, #tpu.memory_space<vmem>>) offsets(%dma_start3A_449 : memref<128xi32, #tpu.memory_space<vmem>>) semaphore(%dma_start3A_454 : memref<!tpu.dma_semaphore, #tpu.memory_space<semaphore_mem>>)
    %dma_wait3A_455 = arith.constant 0 : i32
    %dma_wait3A_456 = arith.constant 1 : i32
    %dma_wait3A_457 = arith.constant 1 : i32
    %dma_wait3A_458 = arith.constant 0 : i32
    %dma_wait3A_459 = arith.constant 0 : i32
    %dma_wait3A_460 = tpu.memref_slice %arg6[%dma_wait3A_456, %dma_wait3A_458, %dma_wait3A_459] : memref<5x128x128xf32, #tpu.memory_space<vmem>> -> memref<1x128x128xf32, #tpu.memory_space<vmem>>
    %dma_wait3A_461 = tpu.memref_squeeze %dma_wait3A_460 : memref<1x128x128xf32, #tpu.memory_space<vmem>> -> memref<128x128xf32, #tpu.memory_space<vmem>>
    %dma_wait3A_462 = arith.constant 0 : i32
    %dma_wait3A_463 = tpu.memref_slice %arg5[%dma_wait3A_455, %dma_wait3A_462] : memref<50x128xi32, #tpu.memory_space<vmem>> -> memref<1x128xi32, #tpu.memory_space<vmem>>
    %dma_wait3A_464 = tpu.memref_squeeze %dma_wait3A_463 : memref<1x128xi32, #tpu.memory_space<vmem>> -> memref<128xi32, #tpu.memory_space<vmem>>
    %dma_wait3A_465 = arith.constant 0 : i32
    %dma_wait3A_466 = arith.constant 0 : i32
    %dma_wait3A_467 = tpu.memref_slice %arg2[%dma_wait3A_465, %dma_wait3A_466] : memref<100000x128xf32, #tpu.memory_space<hbm>> -> memref<100000x128xf32, #tpu.memory_space<hbm>>
    %dma_wait3A_468 = tpu.memref_slice %arg7[%dma_wait3A_457] : memref<5x!tpu.dma_semaphore, #tpu.memory_space<semaphore_mem>> -> memref<1x!tpu.dma_semaphore, #tpu.memory_space<semaphore_mem>>
    %dma_wait3A_469 = tpu.memref_squeeze %dma_wait3A_468 : memref<1x!tpu.dma_semaphore, #tpu.memory_space<semaphore_mem>> -> memref<!tpu.dma_semaphore, #tpu.memory_space<semaphore_mem>>
    tpu.wait_indirect_dma semaphore(%dma_wait3A_469 : memref<!tpu.dma_semaphore, #tpu.memory_space<semaphore_mem>>) src(%dma_wait3A_467 : memref<100000x128xf32, #tpu.memory_space<hbm>>) dst(%dma_wait3A_461 : memref<128x128xf32, #tpu.memory_space<vmem>>)
    %dma_start3A_470 = arith.constant 1 : i32
    %dma_start3A_471 = arith.constant 46 : i32
    %dma_start3A_472 = arith.constant 1 : i32
    %dma_start3A_473 = arith.constant 0 : i32
    %dma_start3A_474 = arith.constant 0 : i32
    %dma_start3A_475 = tpu.memref_slice %arg6[%dma_start3A_470, %dma_start3A_473, %dma_start3A_474] : memref<5x128x128xf32, #tpu.memory_space<vmem>> -> memref<1x128x128xf32, #tpu.memory_space<vmem>>
    %dma_start3A_476 = tpu.memref_squeeze %dma_start3A_475 : memref<1x128x128xf32, #tpu.memory_space<vmem>> -> memref<128x128xf32, #tpu.memory_space<vmem>>
    %dma_start3A_477 = arith.constant 0 : i32
    %dma_start3A_478 = tpu.memref_slice %arg4[%dma_start3A_471, %mul3A_2, %dma_start3A_477] : memref<50x4096x128xf32, #tpu.memory_space<hbm>> -> memref<1x128x128xf32, #tpu.memory_space<hbm>>
    %dma_start3A_479 = tpu.memref_squeeze %dma_start3A_478 : memref<1x128x128xf32, #tpu.memory_space<hbm>> -> memref<128x128xf32, #tpu.memory_space<hbm>>
    %dma_start3A_480 = tpu.memref_slice %arg8[%dma_start3A_472] : memref<5x!tpu.dma_semaphore, #tpu.memory_space<semaphore_mem>> -> memref<1x!tpu.dma_semaphore, #tpu.memory_space<semaphore_mem>>
    %dma_start3A_481 = tpu.memref_squeeze %dma_start3A_480 : memref<1x!tpu.dma_semaphore, #tpu.memory_space<semaphore_mem>> -> memref<!tpu.dma_semaphore, #tpu.memory_space<semaphore_mem>>
    %dma_start3A_482 = arith.constant 0 : i32
    %dma_start3A_483 = tpu.memref_slice %arg4[%dma_start3A_471, %mul3A_2, %dma_start3A_482] : memref<50x4096x128xf32, #tpu.memory_space<hbm>> -> memref<1x128x128xf32, #tpu.memory_space<hbm>>
    %dma_start3A_484 = tpu.memref_squeeze %dma_start3A_483 : memref<1x128x128xf32, #tpu.memory_space<hbm>> -> memref<128x128xf32, #tpu.memory_space<hbm>>
    %dma_start3A_485 = arith.constant 0 : i32
    %dma_start3A_486 = arith.constant 0 : i32
    %dma_start3A_487 = tpu.memref_slice %arg6[%dma_start3A_470, %dma_start3A_485, %dma_start3A_486] : memref<5x128x128xf32, #tpu.memory_space<vmem>> -> memref<1x128x128xf32, #tpu.memory_space<vmem>>
    %dma_start3A_488 = tpu.memref_squeeze %dma_start3A_487 : memref<1x128x128xf32, #tpu.memory_space<vmem>> -> memref<128x128xf32, #tpu.memory_space<vmem>>
    tpu.enqueue_dma source(%dma_start3A_488 : memref<128x128xf32, #tpu.memory_space<vmem>>) target(%dma_start3A_484 : memref<128x128xf32, #tpu.memory_space<hbm>>) target_semaphore(%dma_start3A_481 : memref<!tpu.dma_semaphore, #tpu.memory_space<semaphore_mem>>)
    %dma_wait3A_489 = arith.constant 0 : i32
    %dma_wait3A_490 = arith.constant 0 : i32
    %dma_wait3A_491 = arith.constant 0 : i32
    %dma_wait3A_492 = arith.constant 0 : i32
    %dma_wait3A_493 = arith.constant 0 : i32
    %dma_wait3A_494 = tpu.memref_slice %arg6[%dma_wait3A_489, %dma_wait3A_492, %dma_wait3A_493] : memref<5x128x128xf32, #tpu.memory_space<vmem>> -> memref<1x128x128xf32, #tpu.memory_space<vmem>>
    %dma_wait3A_495 = tpu.memref_squeeze %dma_wait3A_494 : memref<1x128x128xf32, #tpu.memory_space<vmem>> -> memref<128x128xf32, #tpu.memory_space<vmem>>
    %dma_wait3A_496 = arith.constant 0 : i32
    %dma_wait3A_497 = tpu.memref_slice %arg4[%dma_wait3A_490, %mul3A_2, %dma_wait3A_496] : memref<50x4096x128xf32, #tpu.memory_space<hbm>> -> memref<1x128x128xf32, #tpu.memory_space<hbm>>
    %dma_wait3A_498 = tpu.memref_squeeze %dma_wait3A_497 : memref<1x128x128xf32, #tpu.memory_space<hbm>> -> memref<128x128xf32, #tpu.memory_space<hbm>>
    %dma_wait3A_499 = tpu.memref_slice %arg8[%dma_wait3A_491] : memref<5x!tpu.dma_semaphore, #tpu.memory_space<semaphore_mem>> -> memref<1x!tpu.dma_semaphore, #tpu.memory_space<semaphore_mem>>
    %dma_wait3A_500 = tpu.memref_squeeze %dma_wait3A_499 : memref<1x!tpu.dma_semaphore, #tpu.memory_space<semaphore_mem>> -> memref<!tpu.dma_semaphore, #tpu.memory_space<semaphore_mem>>
    %dma_wait3A_501 = arith.constant 0 : i32
    %dma_wait3A_502 = tpu.memref_slice %arg4[%dma_wait3A_490, %mul3A_2, %dma_wait3A_501] : memref<50x4096x128xf32, #tpu.memory_space<hbm>> -> memref<1x128x128xf32, #tpu.memory_space<hbm>>
    %dma_wait3A_503 = tpu.memref_squeeze %dma_wait3A_502 : memref<1x128x128xf32, #tpu.memory_space<hbm>> -> memref<128x128xf32, #tpu.memory_space<hbm>>
    %dma_wait3A_504 = arith.constant 0 : i32
    %dma_wait3A_505 = arith.constant 0 : i32
    %dma_wait3A_506 = tpu.memref_slice %arg6[%dma_wait3A_489, %dma_wait3A_504, %dma_wait3A_505] : memref<5x128x128xf32, #tpu.memory_space<vmem>> -> memref<1x128x128xf32, #tpu.memory_space<vmem>>
    %dma_wait3A_507 = tpu.memref_squeeze %dma_wait3A_506 : memref<1x128x128xf32, #tpu.memory_space<vmem>> -> memref<128x128xf32, #tpu.memory_space<vmem>>
    tpu.wait_dma2 semaphore(%dma_wait3A_500 : memref<!tpu.dma_semaphore, #tpu.memory_space<semaphore_mem>>) src(%dma_wait3A_507 : memref<128x128xf32, #tpu.memory_space<vmem>>) dst(%dma_wait3A_503 : memref<128x128xf32, #tpu.memory_space<hbm>>)
    %dma_wait3A_508 = arith.constant 0 : i32
    %dma_wait3A_509 = arith.constant 2 : i32
    %dma_wait3A_510 = arith.constant 2 : i32
    %dma_wait3A_511 = arith.constant 0 : i32
    %dma_wait3A_512 = arith.constant 0 : i32
    %dma_wait3A_513 = tpu.memref_slice %arg6[%dma_wait3A_509, %dma_wait3A_511, %dma_wait3A_512] : memref<5x128x128xf32, #tpu.memory_space<vmem>> -> memref<1x128x128xf32, #tpu.memory_space<vmem>>
    %dma_wait3A_514 = tpu.memref_squeeze %dma_wait3A_513 : memref<1x128x128xf32, #tpu.memory_space<vmem>> -> memref<128x128xf32, #tpu.memory_space<vmem>>
    %dma_wait3A_515 = arith.constant 0 : i32
    %dma_wait3A_516 = tpu.memref_slice %arg5[%dma_wait3A_508, %dma_wait3A_515] : memref<50x128xi32, #tpu.memory_space<vmem>> -> memref<1x128xi32, #tpu.memory_space<vmem>>
    %dma_wait3A_517 = tpu.memref_squeeze %dma_wait3A_516 : memref<1x128xi32, #tpu.memory_space<vmem>> -> memref<128xi32, #tpu.memory_space<vmem>>
    %dma_wait3A_518 = arith.constant 0 : i32
    %dma_wait3A_519 = arith.constant 0 : i32
    %dma_wait3A_520 = tpu.memref_slice %arg2[%dma_wait3A_518, %dma_wait3A_519] : memref<100000x128xf32, #tpu.memory_space<hbm>> -> memref<100000x128xf32, #tpu.memory_space<hbm>>
    %dma_wait3A_521 = tpu.memref_slice %arg7[%dma_wait3A_510] : memref<5x!tpu.dma_semaphore, #tpu.memory_space<semaphore_mem>> -> memref<1x!tpu.dma_semaphore, #tpu.memory_space<semaphore_mem>>
    %dma_wait3A_522 = tpu.memref_squeeze %dma_wait3A_521 : memref<1x!tpu.dma_semaphore, #tpu.memory_space<semaphore_mem>> -> memref<!tpu.dma_semaphore, #tpu.memory_space<semaphore_mem>>
    tpu.wait_indirect_dma semaphore(%dma_wait3A_522 : memref<!tpu.dma_semaphore, #tpu.memory_space<semaphore_mem>>) src(%dma_wait3A_520 : memref<100000x128xf32, #tpu.memory_space<hbm>>) dst(%dma_wait3A_514 : memref<128x128xf32, #tpu.memory_space<vmem>>)
    %dma_start3A_523 = arith.constant 2 : i32
    %dma_start3A_524 = arith.constant 47 : i32
    %dma_start3A_525 = arith.constant 2 : i32
    %dma_start3A_526 = arith.constant 0 : i32
    %dma_start3A_527 = arith.constant 0 : i32
    %dma_start3A_528 = tpu.memref_slice %arg6[%dma_start3A_523, %dma_start3A_526, %dma_start3A_527] : memref<5x128x128xf32, #tpu.memory_space<vmem>> -> memref<1x128x128xf32, #tpu.memory_space<vmem>>
    %dma_start3A_529 = tpu.memref_squeeze %dma_start3A_528 : memref<1x128x128xf32, #tpu.memory_space<vmem>> -> memref<128x128xf32, #tpu.memory_space<vmem>>
    %dma_start3A_530 = arith.constant 0 : i32
    %dma_start3A_531 = tpu.memref_slice %arg4[%dma_start3A_524, %mul3A_2, %dma_start3A_530] : memref<50x4096x128xf32, #tpu.memory_space<hbm>> -> memref<1x128x128xf32, #tpu.memory_space<hbm>>
    %dma_start3A_532 = tpu.memref_squeeze %dma_start3A_531 : memref<1x128x128xf32, #tpu.memory_space<hbm>> -> memref<128x128xf32, #tpu.memory_space<hbm>>
    %dma_start3A_533 = tpu.memref_slice %arg8[%dma_start3A_525] : memref<5x!tpu.dma_semaphore, #tpu.memory_space<semaphore_mem>> -> memref<1x!tpu.dma_semaphore, #tpu.memory_space<semaphore_mem>>
    %dma_start3A_534 = tpu.memref_squeeze %dma_start3A_533 : memref<1x!tpu.dma_semaphore, #tpu.memory_space<semaphore_mem>> -> memref<!tpu.dma_semaphore, #tpu.memory_space<semaphore_mem>>
    %dma_start3A_535 = arith.constant 0 : i32
    %dma_start3A_536 = tpu.memref_slice %arg4[%dma_start3A_524, %mul3A_2, %dma_start3A_535] : memref<50x4096x128xf32, #tpu.memory_space<hbm>> -> memref<1x128x128xf32, #tpu.memory_space<hbm>>
    %dma_start3A_537 = tpu.memref_squeeze %dma_start3A_536 : memref<1x128x128xf32, #tpu.memory_space<hbm>> -> memref<128x128xf32, #tpu.memory_space<hbm>>
    %dma_start3A_538 = arith.constant 0 : i32
    %dma_start3A_539 = arith.constant 0 : i32
    %dma_start3A_540 = tpu.memref_slice %arg6[%dma_start3A_523, %dma_start3A_538, %dma_start3A_539] : memref<5x128x128xf32, #tpu.memory_space<vmem>> -> memref<1x128x128xf32, #tpu.memory_space<vmem>>
    %dma_start3A_541 = tpu.memref_squeeze %dma_start3A_540 : memref<1x128x128xf32, #tpu.memory_space<vmem>> -> memref<128x128xf32, #tpu.memory_space<vmem>>
    tpu.enqueue_dma source(%dma_start3A_541 : memref<128x128xf32, #tpu.memory_space<vmem>>) target(%dma_start3A_537 : memref<128x128xf32, #tpu.memory_space<hbm>>) target_semaphore(%dma_start3A_534 : memref<!tpu.dma_semaphore, #tpu.memory_space<semaphore_mem>>)
    %dma_wait3A_542 = arith.constant 1 : i32
    %dma_wait3A_543 = arith.constant 0 : i32
    %dma_wait3A_544 = arith.constant 1 : i32
    %dma_wait3A_545 = arith.constant 0 : i32
    %dma_wait3A_546 = arith.constant 0 : i32
    %dma_wait3A_547 = tpu.memref_slice %arg6[%dma_wait3A_542, %dma_wait3A_545, %dma_wait3A_546] : memref<5x128x128xf32, #tpu.memory_space<vmem>> -> memref<1x128x128xf32, #tpu.memory_space<vmem>>
    %dma_wait3A_548 = tpu.memref_squeeze %dma_wait3A_547 : memref<1x128x128xf32, #tpu.memory_space<vmem>> -> memref<128x128xf32, #tpu.memory_space<vmem>>
    %dma_wait3A_549 = arith.constant 0 : i32
    %dma_wait3A_550 = tpu.memref_slice %arg4[%dma_wait3A_543, %mul3A_2, %dma_wait3A_549] : memref<50x4096x128xf32, #tpu.memory_space<hbm>> -> memref<1x128x128xf32, #tpu.memory_space<hbm>>
    %dma_wait3A_551 = tpu.memref_squeeze %dma_wait3A_550 : memref<1x128x128xf32, #tpu.memory_space<hbm>> -> memref<128x128xf32, #tpu.memory_space<hbm>>
    %dma_wait3A_552 = tpu.memref_slice %arg8[%dma_wait3A_544] : memref<5x!tpu.dma_semaphore, #tpu.memory_space<semaphore_mem>> -> memref<1x!tpu.dma_semaphore, #tpu.memory_space<semaphore_mem>>
    %dma_wait3A_553 = tpu.memref_squeeze %dma_wait3A_552 : memref<1x!tpu.dma_semaphore, #tpu.memory_space<semaphore_mem>> -> memref<!tpu.dma_semaphore, #tpu.memory_space<semaphore_mem>>
    %dma_wait3A_554 = arith.constant 0 : i32
    %dma_wait3A_555 = tpu.memref_slice %arg4[%dma_wait3A_543, %mul3A_2, %dma_wait3A_554] : memref<50x4096x128xf32, #tpu.memory_space<hbm>> -> memref<1x128x128xf32, #tpu.memory_space<hbm>>
    %dma_wait3A_556 = tpu.memref_squeeze %dma_wait3A_555 : memref<1x128x128xf32, #tpu.memory_space<hbm>> -> memref<128x128xf32, #tpu.memory_space<hbm>>
    %dma_wait3A_557 = arith.constant 0 : i32
    %dma_wait3A_558 = arith.constant 0 : i32
    %dma_wait3A_559 = tpu.memref_slice %arg6[%dma_wait3A_542, %dma_wait3A_557, %dma_wait3A_558] : memref<5x128x128xf32, #tpu.memory_space<vmem>> -> memref<1x128x128xf32, #tpu.memory_space<vmem>>
    %dma_wait3A_560 = tpu.memref_squeeze %dma_wait3A_559 : memref<1x128x128xf32, #tpu.memory_space<vmem>> -> memref<128x128xf32, #tpu.memory_space<vmem>>
    tpu.wait_dma2 semaphore(%dma_wait3A_553 : memref<!tpu.dma_semaphore, #tpu.memory_space<semaphore_mem>>) src(%dma_wait3A_560 : memref<128x128xf32, #tpu.memory_space<vmem>>) dst(%dma_wait3A_556 : memref<128x128xf32, #tpu.memory_space<hbm>>)
    %dma_wait3A_561 = arith.constant 0 : i32
    %dma_wait3A_562 = arith.constant 3 : i32
    %dma_wait3A_563 = arith.constant 3 : i32
    %dma_wait3A_564 = arith.constant 0 : i32
    %dma_wait3A_565 = arith.constant 0 : i32
    %dma_wait3A_566 = tpu.memref_slice %arg6[%dma_wait3A_562, %dma_wait3A_564, %dma_wait3A_565] : memref<5x128x128xf32, #tpu.memory_space<vmem>> -> memref<1x128x128xf32, #tpu.memory_space<vmem>>
    %dma_wait3A_567 = tpu.memref_squeeze %dma_wait3A_566 : memref<1x128x128xf32, #tpu.memory_space<vmem>> -> memref<128x128xf32, #tpu.memory_space<vmem>>
    %dma_wait3A_568 = arith.constant 0 : i32
    %dma_wait3A_569 = tpu.memref_slice %arg5[%dma_wait3A_561, %dma_wait3A_568] : memref<50x128xi32, #tpu.memory_space<vmem>> -> memref<1x128xi32, #tpu.memory_space<vmem>>
    %dma_wait3A_570 = tpu.memref_squeeze %dma_wait3A_569 : memref<1x128xi32, #tpu.memory_space<vmem>> -> memref<128xi32, #tpu.memory_space<vmem>>
    %dma_wait3A_571 = arith.constant 0 : i32
    %dma_wait3A_572 = arith.constant 0 : i32
    %dma_wait3A_573 = tpu.memref_slice %arg2[%dma_wait3A_571, %dma_wait3A_572] : memref<100000x128xf32, #tpu.memory_space<hbm>> -> memref<100000x128xf32, #tpu.memory_space<hbm>>
    %dma_wait3A_574 = tpu.memref_slice %arg7[%dma_wait3A_563] : memref<5x!tpu.dma_semaphore, #tpu.memory_space<semaphore_mem>> -> memref<1x!tpu.dma_semaphore, #tpu.memory_space<semaphore_mem>>
    %dma_wait3A_575 = tpu.memref_squeeze %dma_wait3A_574 : memref<1x!tpu.dma_semaphore, #tpu.memory_space<semaphore_mem>> -> memref<!tpu.dma_semaphore, #tpu.memory_space<semaphore_mem>>
    tpu.wait_indirect_dma semaphore(%dma_wait3A_575 : memref<!tpu.dma_semaphore, #tpu.memory_space<semaphore_mem>>) src(%dma_wait3A_573 : memref<100000x128xf32, #tpu.memory_space<hbm>>) dst(%dma_wait3A_567 : memref<128x128xf32, #tpu.memory_space<vmem>>)
    %dma_start3A_576 = arith.constant 3 : i32
    %dma_start3A_577 = arith.constant 48 : i32
    %dma_start3A_578 = arith.constant 3 : i32
    %dma_start3A_579 = arith.constant 0 : i32
    %dma_start3A_580 = arith.constant 0 : i32
    %dma_start3A_581 = tpu.memref_slice %arg6[%dma_start3A_576, %dma_start3A_579, %dma_start3A_580] : memref<5x128x128xf32, #tpu.memory_space<vmem>> -> memref<1x128x128xf32, #tpu.memory_space<vmem>>
    %dma_start3A_582 = tpu.memref_squeeze %dma_start3A_581 : memref<1x128x128xf32, #tpu.memory_space<vmem>> -> memref<128x128xf32, #tpu.memory_space<vmem>>
    %dma_start3A_583 = arith.constant 0 : i32
    %dma_start3A_584 = tpu.memref_slice %arg4[%dma_start3A_577, %mul3A_2, %dma_start3A_583] : memref<50x4096x128xf32, #tpu.memory_space<hbm>> -> memref<1x128x128xf32, #tpu.memory_space<hbm>>
    %dma_start3A_585 = tpu.memref_squeeze %dma_start3A_584 : memref<1x128x128xf32, #tpu.memory_space<hbm>> -> memref<128x128xf32, #tpu.memory_space<hbm>>
    %dma_start3A_586 = tpu.memref_slice %arg8[%dma_start3A_578] : memref<5x!tpu.dma_semaphore, #tpu.memory_space<semaphore_mem>> -> memref<1x!tpu.dma_semaphore, #tpu.memory_space<semaphore_mem>>
    %dma_start3A_587 = tpu.memref_squeeze %dma_start3A_586 : memref<1x!tpu.dma_semaphore, #tpu.memory_space<semaphore_mem>> -> memref<!tpu.dma_semaphore, #tpu.memory_space<semaphore_mem>>
    %dma_start3A_588 = arith.constant 0 : i32
    %dma_start3A_589 = tpu.memref_slice %arg4[%dma_start3A_577, %mul3A_2, %dma_start3A_588] : memref<50x4096x128xf32, #tpu.memory_space<hbm>> -> memref<1x128x128xf32, #tpu.memory_space<hbm>>
    %dma_start3A_590 = tpu.memref_squeeze %dma_start3A_589 : memref<1x128x128xf32, #tpu.memory_space<hbm>> -> memref<128x128xf32, #tpu.memory_space<hbm>>
    %dma_start3A_591 = arith.constant 0 : i32
    %dma_start3A_592 = arith.constant 0 : i32
    %dma_start3A_593 = tpu.memref_slice %arg6[%dma_start3A_576, %dma_start3A_591, %dma_start3A_592] : memref<5x128x128xf32, #tpu.memory_space<vmem>> -> memref<1x128x128xf32, #tpu.memory_space<vmem>>
    %dma_start3A_594 = tpu.memref_squeeze %dma_start3A_593 : memref<1x128x128xf32, #tpu.memory_space<vmem>> -> memref<128x128xf32, #tpu.memory_space<vmem>>
    tpu.enqueue_dma source(%dma_start3A_594 : memref<128x128xf32, #tpu.memory_space<vmem>>) target(%dma_start3A_590 : memref<128x128xf32, #tpu.memory_space<hbm>>) target_semaphore(%dma_start3A_587 : memref<!tpu.dma_semaphore, #tpu.memory_space<semaphore_mem>>)
    %dma_wait3A_595 = arith.constant 2 : i32
    %dma_wait3A_596 = arith.constant 0 : i32
    %dma_wait3A_597 = arith.constant 2 : i32
    %dma_wait3A_598 = arith.constant 0 : i32
    %dma_wait3A_599 = arith.constant 0 : i32
    %dma_wait3A_600 = tpu.memref_slice %arg6[%dma_wait3A_595, %dma_wait3A_598, %dma_wait3A_599] : memref<5x128x128xf32, #tpu.memory_space<vmem>> -> memref<1x128x128xf32, #tpu.memory_space<vmem>>
    %dma_wait3A_601 = tpu.memref_squeeze %dma_wait3A_600 : memref<1x128x128xf32, #tpu.memory_space<vmem>> -> memref<128x128xf32, #tpu.memory_space<vmem>>
    %dma_wait3A_602 = arith.constant 0 : i32
    %dma_wait3A_603 = tpu.memref_slice %arg4[%dma_wait3A_596, %mul3A_2, %dma_wait3A_602] : memref<50x4096x128xf32, #tpu.memory_space<hbm>> -> memref<1x128x128xf32, #tpu.memory_space<hbm>>
    %dma_wait3A_604 = tpu.memref_squeeze %dma_wait3A_603 : memref<1x128x128xf32, #tpu.memory_space<hbm>> -> memref<128x128xf32, #tpu.memory_space<hbm>>
    %dma_wait3A_605 = tpu.memref_slice %arg8[%dma_wait3A_597] : memref<5x!tpu.dma_semaphore, #tpu.memory_space<semaphore_mem>> -> memref<1x!tpu.dma_semaphore, #tpu.memory_space<semaphore_mem>>
    %dma_wait3A_606 = tpu.memref_squeeze %dma_wait3A_605 : memref<1x!tpu.dma_semaphore, #tpu.memory_space<semaphore_mem>> -> memref<!tpu.dma_semaphore, #tpu.memory_space<semaphore_mem>>
    %dma_wait3A_607 = arith.constant 0 : i32
    %dma_wait3A_608 = tpu.memref_slice %arg4[%dma_wait3A_596, %mul3A_2, %dma_wait3A_607] : memref<50x4096x128xf32, #tpu.memory_space<hbm>> -> memref<1x128x128xf32, #tpu.memory_space<hbm>>
    %dma_wait3A_609 = tpu.memref_squeeze %dma_wait3A_608 : memref<1x128x128xf32, #tpu.memory_space<hbm>> -> memref<128x128xf32, #tpu.memory_space<hbm>>
    %dma_wait3A_610 = arith.constant 0 : i32
    %dma_wait3A_611 = arith.constant 0 : i32
    %dma_wait3A_612 = tpu.memref_slice %arg6[%dma_wait3A_595, %dma_wait3A_610, %dma_wait3A_611] : memref<5x128x128xf32, #tpu.memory_space<vmem>> -> memref<1x128x128xf32, #tpu.memory_space<vmem>>
    %dma_wait3A_613 = tpu.memref_squeeze %dma_wait3A_612 : memref<1x128x128xf32, #tpu.memory_space<vmem>> -> memref<128x128xf32, #tpu.memory_space<vmem>>
    tpu.wait_dma2 semaphore(%dma_wait3A_606 : memref<!tpu.dma_semaphore, #tpu.memory_space<semaphore_mem>>) src(%dma_wait3A_613 : memref<128x128xf32, #tpu.memory_space<vmem>>) dst(%dma_wait3A_609 : memref<128x128xf32, #tpu.memory_space<hbm>>)
    %dma_wait3A_614 = arith.constant 0 : i32
    %dma_wait3A_615 = arith.constant 4 : i32
    %dma_wait3A_616 = arith.constant 4 : i32
    %dma_wait3A_617 = arith.constant 0 : i32
    %dma_wait3A_618 = arith.constant 0 : i32
    %dma_wait3A_619 = tpu.memref_slice %arg6[%dma_wait3A_615, %dma_wait3A_617, %dma_wait3A_618] : memref<5x128x128xf32, #tpu.memory_space<vmem>> -> memref<1x128x128xf32, #tpu.memory_space<vmem>>
    %dma_wait3A_620 = tpu.memref_squeeze %dma_wait3A_619 : memref<1x128x128xf32, #tpu.memory_space<vmem>> -> memref<128x128xf32, #tpu.memory_space<vmem>>
    %dma_wait3A_621 = arith.constant 0 : i32
    %dma_wait3A_622 = tpu.memref_slice %arg5[%dma_wait3A_614, %dma_wait3A_621] : memref<50x128xi32, #tpu.memory_space<vmem>> -> memref<1x128xi32, #tpu.memory_space<vmem>>
    %dma_wait3A_623 = tpu.memref_squeeze %dma_wait3A_622 : memref<1x128xi32, #tpu.memory_space<vmem>> -> memref<128xi32, #tpu.memory_space<vmem>>
    %dma_wait3A_624 = arith.constant 0 : i32
    %dma_wait3A_625 = arith.constant 0 : i32
    %dma_wait3A_626 = tpu.memref_slice %arg2[%dma_wait3A_624, %dma_wait3A_625] : memref<100000x128xf32, #tpu.memory_space<hbm>> -> memref<100000x128xf32, #tpu.memory_space<hbm>>
    %dma_wait3A_627 = tpu.memref_slice %arg7[%dma_wait3A_616] : memref<5x!tpu.dma_semaphore, #tpu.memory_space<semaphore_mem>> -> memref<1x!tpu.dma_semaphore, #tpu.memory_space<semaphore_mem>>
    %dma_wait3A_628 = tpu.memref_squeeze %dma_wait3A_627 : memref<1x!tpu.dma_semaphore, #tpu.memory_space<semaphore_mem>> -> memref<!tpu.dma_semaphore, #tpu.memory_space<semaphore_mem>>
    tpu.wait_indirect_dma semaphore(%dma_wait3A_628 : memref<!tpu.dma_semaphore, #tpu.memory_space<semaphore_mem>>) src(%dma_wait3A_626 : memref<100000x128xf32, #tpu.memory_space<hbm>>) dst(%dma_wait3A_620 : memref<128x128xf32, #tpu.memory_space<vmem>>)
    %dma_start3A_629 = arith.constant 4 : i32
    %dma_start3A_630 = arith.constant 49 : i32
    %dma_start3A_631 = arith.constant 4 : i32
    %dma_start3A_632 = arith.constant 0 : i32
    %dma_start3A_633 = arith.constant 0 : i32
    %dma_start3A_634 = tpu.memref_slice %arg6[%dma_start3A_629, %dma_start3A_632, %dma_start3A_633] : memref<5x128x128xf32, #tpu.memory_space<vmem>> -> memref<1x128x128xf32, #tpu.memory_space<vmem>>
    %dma_start3A_635 = tpu.memref_squeeze %dma_start3A_634 : memref<1x128x128xf32, #tpu.memory_space<vmem>> -> memref<128x128xf32, #tpu.memory_space<vmem>>
    %dma_start3A_636 = arith.constant 0 : i32
    %dma_start3A_637 = tpu.memref_slice %arg4[%dma_start3A_630, %mul3A_2, %dma_start3A_636] : memref<50x4096x128xf32, #tpu.memory_space<hbm>> -> memref<1x128x128xf32, #tpu.memory_space<hbm>>
    %dma_start3A_638 = tpu.memref_squeeze %dma_start3A_637 : memref<1x128x128xf32, #tpu.memory_space<hbm>> -> memref<128x128xf32, #tpu.memory_space<hbm>>
    %dma_start3A_639 = tpu.memref_slice %arg8[%dma_start3A_631] : memref<5x!tpu.dma_semaphore, #tpu.memory_space<semaphore_mem>> -> memref<1x!tpu.dma_semaphore, #tpu.memory_space<semaphore_mem>>
    %dma_start3A_640 = tpu.memref_squeeze %dma_start3A_639 : memref<1x!tpu.dma_semaphore, #tpu.memory_space<semaphore_mem>> -> memref<!tpu.dma_semaphore, #tpu.memory_space<semaphore_mem>>
    %dma_start3A_641 = arith.constant 0 : i32
    %dma_start3A_642 = tpu.memref_slice %arg4[%dma_start3A_630, %mul3A_2, %dma_start3A_641] : memref<50x4096x128xf32, #tpu.memory_space<hbm>> -> memref<1x128x128xf32, #tpu.memory_space<hbm>>
    %dma_start3A_643 = tpu.memref_squeeze %dma_start3A_642 : memref<1x128x128xf32, #tpu.memory_space<hbm>> -> memref<128x128xf32, #tpu.memory_space<hbm>>
    %dma_start3A_644 = arith.constant 0 : i32
    %dma_start3A_645 = arith.constant 0 : i32
    %dma_start3A_646 = tpu.memref_slice %arg6[%dma_start3A_629, %dma_start3A_644, %dma_start3A_645] : memref<5x128x128xf32, #tpu.memory_space<vmem>> -> memref<1x128x128xf32, #tpu.memory_space<vmem>>
    %dma_start3A_647 = tpu.memref_squeeze %dma_start3A_646 : memref<1x128x128xf32, #tpu.memory_space<vmem>> -> memref<128x128xf32, #tpu.memory_space<vmem>>
    tpu.enqueue_dma source(%dma_start3A_647 : memref<128x128xf32, #tpu.memory_space<vmem>>) target(%dma_start3A_643 : memref<128x128xf32, #tpu.memory_space<hbm>>) target_semaphore(%dma_start3A_640 : memref<!tpu.dma_semaphore, #tpu.memory_space<semaphore_mem>>)
    %dma_wait3A_648 = arith.constant 3 : i32
    %dma_wait3A_649 = arith.constant 0 : i32
    %dma_wait3A_650 = arith.constant 3 : i32
    %dma_wait3A_651 = arith.constant 0 : i32
    %dma_wait3A_652 = arith.constant 0 : i32
    %dma_wait3A_653 = tpu.memref_slice %arg6[%dma_wait3A_648, %dma_wait3A_651, %dma_wait3A_652] : memref<5x128x128xf32, #tpu.memory_space<vmem>> -> memref<1x128x128xf32, #tpu.memory_space<vmem>>
    %dma_wait3A_654 = tpu.memref_squeeze %dma_wait3A_653 : memref<1x128x128xf32, #tpu.memory_space<vmem>> -> memref<128x128xf32, #tpu.memory_space<vmem>>
    %dma_wait3A_655 = arith.constant 0 : i32
    %dma_wait3A_656 = tpu.memref_slice %arg4[%dma_wait3A_649, %mul3A_2, %dma_wait3A_655] : memref<50x4096x128xf32, #tpu.memory_space<hbm>> -> memref<1x128x128xf32, #tpu.memory_space<hbm>>
    %dma_wait3A_657 = tpu.memref_squeeze %dma_wait3A_656 : memref<1x128x128xf32, #tpu.memory_space<hbm>> -> memref<128x128xf32, #tpu.memory_space<hbm>>
    %dma_wait3A_658 = tpu.memref_slice %arg8[%dma_wait3A_650] : memref<5x!tpu.dma_semaphore, #tpu.memory_space<semaphore_mem>> -> memref<1x!tpu.dma_semaphore, #tpu.memory_space<semaphore_mem>>
    %dma_wait3A_659 = tpu.memref_squeeze %dma_wait3A_658 : memref<1x!tpu.dma_semaphore, #tpu.memory_space<semaphore_mem>> -> memref<!tpu.dma_semaphore, #tpu.memory_space<semaphore_mem>>
    %dma_wait3A_660 = arith.constant 0 : i32
    %dma_wait3A_661 = tpu.memref_slice %arg4[%dma_wait3A_649, %mul3A_2, %dma_wait3A_660] : memref<50x4096x128xf32, #tpu.memory_space<hbm>> -> memref<1x128x128xf32, #tpu.memory_space<hbm>>
    %dma_wait3A_662 = tpu.memref_squeeze %dma_wait3A_661 : memref<1x128x128xf32, #tpu.memory_space<hbm>> -> memref<128x128xf32, #tpu.memory_space<hbm>>
    %dma_wait3A_663 = arith.constant 0 : i32
    %dma_wait3A_664 = arith.constant 0 : i32
    %dma_wait3A_665 = tpu.memref_slice %arg6[%dma_wait3A_648, %dma_wait3A_663, %dma_wait3A_664] : memref<5x128x128xf32, #tpu.memory_space<vmem>> -> memref<1x128x128xf32, #tpu.memory_space<vmem>>
    %dma_wait3A_666 = tpu.memref_squeeze %dma_wait3A_665 : memref<1x128x128xf32, #tpu.memory_space<vmem>> -> memref<128x128xf32, #tpu.memory_space<vmem>>
    tpu.wait_dma2 semaphore(%dma_wait3A_659 : memref<!tpu.dma_semaphore, #tpu.memory_space<semaphore_mem>>) src(%dma_wait3A_666 : memref<128x128xf32, #tpu.memory_space<vmem>>) dst(%dma_wait3A_662 : memref<128x128xf32, #tpu.memory_space<hbm>>)
    %dma_wait3A_667 = arith.constant 4 : i32
    %dma_wait3A_668 = arith.constant 0 : i32
    %dma_wait3A_669 = arith.constant 4 : i32
    %dma_wait3A_670 = arith.constant 0 : i32
    %dma_wait3A_671 = arith.constant 0 : i32
    %dma_wait3A_672 = tpu.memref_slice %arg6[%dma_wait3A_667, %dma_wait3A_670, %dma_wait3A_671] : memref<5x128x128xf32, #tpu.memory_space<vmem>> -> memref<1x128x128xf32, #tpu.memory_space<vmem>>
    %dma_wait3A_673 = tpu.memref_squeeze %dma_wait3A_672 : memref<1x128x128xf32, #tpu.memory_space<vmem>> -> memref<128x128xf32, #tpu.memory_space<vmem>>
    %dma_wait3A_674 = arith.constant 0 : i32
    %dma_wait3A_675 = tpu.memref_slice %arg4[%dma_wait3A_668, %mul3A_2, %dma_wait3A_674] : memref<50x4096x128xf32, #tpu.memory_space<hbm>> -> memref<1x128x128xf32, #tpu.memory_space<hbm>>
    %dma_wait3A_676 = tpu.memref_squeeze %dma_wait3A_675 : memref<1x128x128xf32, #tpu.memory_space<hbm>> -> memref<128x128xf32, #tpu.memory_space<hbm>>
    %dma_wait3A_677 = tpu.memref_slice %arg8[%dma_wait3A_669] : memref<5x!tpu.dma_semaphore, #tpu.memory_space<semaphore_mem>> -> memref<1x!tpu.dma_semaphore, #tpu.memory_space<semaphore_mem>>
    %dma_wait3A_678 = tpu.memref_squeeze %dma_wait3A_677 : memref<1x!tpu.dma_semaphore, #tpu.memory_space<semaphore_mem>> -> memref<!tpu.dma_semaphore, #tpu.memory_space<semaphore_mem>>
    %dma_wait3A_679 = arith.constant 0 : i32
    %dma_wait3A_680 = tpu.memref_slice %arg4[%dma_wait3A_668, %mul3A_2, %dma_wait3A_679] : memref<50x4096x128xf32, #tpu.memory_space<hbm>> -> memref<1x128x128xf32, #tpu.memory_space<hbm>>
    %dma_wait3A_681 = tpu.memref_squeeze %dma_wait3A_680 : memref<1x128x128xf32, #tpu.memory_space<hbm>> -> memref<128x128xf32, #tpu.memory_space<hbm>>
    %dma_wait3A_682 = arith.constant 0 : i32
    %dma_wait3A_683 = arith.constant 0 : i32
    %dma_wait3A_684 = tpu.memref_slice %arg6[%dma_wait3A_667, %dma_wait3A_682, %dma_wait3A_683] : memref<5x128x128xf32, #tpu.memory_space<vmem>> -> memref<1x128x128xf32, #tpu.memory_space<vmem>>
    %dma_wait3A_685 = tpu.memref_squeeze %dma_wait3A_684 : memref<1x128x128xf32, #tpu.memory_space<vmem>> -> memref<128x128xf32, #tpu.memory_space<vmem>>
    tpu.wait_dma2 semaphore(%dma_wait3A_678 : memref<!tpu.dma_semaphore, #tpu.memory_space<semaphore_mem>>) src(%dma_wait3A_685 : memref<128x128xf32, #tpu.memory_space<vmem>>) dst(%dma_wait3A_681 : memref<128x128xf32, #tpu.memory_space<hbm>>)
    return
  }
}

</mosaic_0001>

<sc_bundles>
// kernel: kernel.3.cloned.1.call-start
scs
__scs_entry_jumppad:
0x0: {  	(pc) =	sbr.rel $0x88, $3  }
0x1: {  	(tag) =	ssettag $0x0;
	lr =	simm.s32 $0x1  }
0x2: {  	[smem:$0x3F9F] =	sst lr;
	_ =	strace $0xD0000000  }
0x3: {  	_ = 	snop  }
0x4: {  	_ = 	snop  }
0x5: {  	_ = 	snop  }
0x6: {  	_ = 	snop  }
0x7: {  	_ = 	snop  }
__scs_overlays_trampoline_lowered:
0x8: {  	[smem:$0x3FAE] =	sst s0  }
0x9: {  	[smem:$0x3FAF] =	sst s1  }
0xa: {  	[smem:$0x3FB0] =	sst s2  }
0xb: {  	[smem:$0x3FB1] =	sst s3  }
0xc: {  	[smem:$0x3FB2] =	sst s4  }
0xd: {  	[smem:$0x3FB3] =	sst s5  }
0xe: {  	[smem:$0x3FB4] =	sst s6  }
0xf: {  	[smem:$0x3FB5] =	sst s7  }
0x10: {  	[smem:$0x3FB6] =	sst s8  }
0x11: {  	[smem:$0x3FB7] =	sst s9;
	s0 =	simm.s32 @!p0 $0x0  }
0x12: {  	s1 =	sld [smem:$0x3F9D];
	s0 =	simm.s32 @p0 $0x1  }
0x13: {  	[smem:$0x3FB8] =	sst s0;
	s0 =	simm.s32 @!p1 $0x0  }
0x14: {  	s2 =	sld [smem:$0x3F9C];
	s0 =	simm.s32 @p1 $0x1  }
0x15: {  	[smem:$0x3FB9] =	sst s0;
	s0 =	simm.s32 @!p2 $0x0  }
0x16: {  	s3 =	sld [smem:$0x3FDB];
	s0 =	simm.s32 @p2 $0x1  }
0x17: {  	s4 =	simm.s32 $0x1BF5;
	[smem:$0x3FBB] =	sst s0  }
0x18: {  	s0 =	sld [smem:$0x3F9E];
	_ =	swait.ge [sflag:s4], $0x0  }
0x19: {  	s7 =	sld [smem:$0x3F9F]  }
0x1a: {  	s8 =	sadd.s32 $0xFFFFE003, lr  }
0x1b: {  	s9 =	sadd.s32 $0xFFFFFEF7, lr;
	s5 =	simm.s32 $0xFFFFFFFF;
	p2 =	slt.u32 s8, $0xFFFFF086  }
0x1c: {  	p1 =	slt.u32 s9, $0xF7A;
	s5 =	simm.s32 @!p2 $0x0  }
0x1d: {  	s5 =	simm.s32 @p1 $0x1;
	p0 =	seq.s32 s7, s2  }
0x1e: {  	s7 =	smul.u32 @!p0 $0xF7A, s2;
	p2 =	seq.s32 @!p0 s5, $0x0  }
0x1f: {  	s9 =	smul.u32 $0xF7A, s1;
	s8 =	simm.s32 @!p0 $0x1BF5;
	p2 =	por !p2, p0  }
0x20: {  	[sflag:s8] =	ssyncset.s32 @!p0 $0xFFFFF086;
	s6 =	sadd.s32 @!p0 s3, s7;
	s7 =	simm.s32 @!p0 $0x108  }
0x21: {  	s3 =	sadd.s32 s3, s9;
	s6 =	sadd.s32 @!p0 $0x88, s6;
	s7 =	simm.s32 @p2 $0x1082  }
0x22: {  	[simem:s7], [sflag:s8] =	dma.local @!p0 [hbm:s6], $0xF7A  }
0x23: {  	s9 =	sor.u32 $0xD0000000, s2;
	s6 =	simm.s32 $0x108;
	_ =	swait.ge @!p0 [sflag:s8], $0x0  }
0x24: {  	s3 =	sadd.s32 $0x88, s3;
	s6 =	simm.s32 @!p1 $0x1082;
	[sflag:s4] =	ssyncset.s32 $0xFFFFF086  }
0x25: {  	[simem:s6], [sflag:s4] =	dma.local [hbm:s3], $0xF7A  }
0x26: {  	[smem:$0x3F9F] =	sst s1;
	(tag) =	ssettag s2;
	_ =	strace s9  }
0x27: {  	s1 =	sld [smem:$0x3FAF]  }
0x28: {  	s2 =	sld [smem:$0x3FB0]  }
0x29: {  	s4 =	sld [smem:$0x3FB2]  }
0x2a: {  	p0 =	seq.s32 s5, $0x0;
	s5 =	sld [smem:$0x3FB3]  }
0x2b: {  	s6 =	sld [smem:$0x3FB4]  }
0x2c: {  	s7 =	sld [smem:$0x3FB5]  }
0x2d: {  	s3 =	simm.s32 $0x108;
	s8 =	sld [smem:$0x3FB6]  }
0x2e: {  	s3 =	simm.s32 @!p0 $0x1082;
	s9 =	sld [smem:$0x3FB7]  }
0x2f: {  	lr =	sadd.s32 s0, s3;
	s0 =	sld [smem:$0x3FAE]  }
0x30: {  	s3 =	sld [smem:$0x3FB1]  }
0x31: {  	[smem:$0x3FBA] =	sst s10  }
0x32: {  	s10 =	sld [smem:$0x3FB8];
	_ =	sdelay $0x3  }
0x33: {  	p0 =	seq.s32 s10, $0x1;
	s10 =	sld [smem:$0x3FBA];
	_ =	sdelay $0x3  }
0x34: {  	[smem:$0x3FBA] =	sst s10  }
0x35: {  	s10 =	sld [smem:$0x3FB9];
	_ =	sdelay $0x3  }
0x36: {  	p1 =	seq.s32 s10, $0x1;
	s10 =	sld [smem:$0x3FBA];
	_ =	sdelay $0x3  }
0x37: {  	[smem:$0x3FBA] =	sst s10  }
0x38: {  	s10 =	sld [smem:$0x3FBB]  }
0x39: {  	_ = 	snop;
	(pc) =	sbr.ind lr, $3  }
0x3a: {  	_ = 	snop  }
0x3b: {  	_ = 	snop  }
0x3c: {  	p2 =	seq.s32 s10, $0x1;
	s10 =	sld [smem:$0x3FBA]  }
0x3d: {  	_ =	shalt  }
0x3e: {  	_ =	shalt  }
0x3f: {  	_ =	shalt  }
0x40: {  	_ =	shalt  }
0x41: {  	_ =	shalt  }
0x42: {  	_ =	shalt  }
0x43: {  	_ =	shalt  }
0x44: {  	_ =	shalt  }
0x45: {  	_ =	shalt  }
0x46: {  	_ =	shalt  }
0x47: {  	_ =	shalt  }
0x48: {  	_ =	shalt  }
0x49: {  	_ =	shalt  }
0x4a: {  	_ =	shalt  }
0x4b: {  	_ =	shalt  }
0x4c: {  	_ =	shalt  }
0x4d: {  	_ =	shalt  }
0x4e: {  	_ =	shalt  }
0x4f: {  	_ =	shalt  }
0x50: {  	_ =	shalt  }
0x51: {  	_ =	shalt  }
0x52: {  	_ =	shalt  }
0x53: {  	_ =	shalt  }
0x54: {  	_ =	shalt  }
0x55: {  	_ =	shalt  }
0x56: {  	_ =	shalt  }
0x57: {  	_ =	shalt  }
0x58: {  	_ =	shalt  }
0x59: {  	_ =	shalt  }
0x5a: {  	_ =	shalt  }
0x5b: {  	_ =	shalt  }
0x5c: {  	_ =	shalt  }
0x5d: {  	_ =	shalt  }
0x5e: {  	_ =	shalt  }
0x5f: {  	_ =	shalt  }
0x60: {  	_ =	shalt  }
0x61: {  	_ =	shalt  }
0x62: {  	_ =	shalt  }
0x63: {  	_ =	shalt  }
0x64: {  	_ =	shalt  }
0x65: {  	_ =	shalt  }
0x66: {  	_ =	shalt  }
0x67: {  	_ =	shalt  }
0x68: {  	_ =	shalt  }
0x69: {  	_ =	shalt  }
0x6a: {  	_ =	shalt  }
0x6b: {  	_ =	shalt  }
0x6c: {  	_ =	shalt  }
0x6d: {  	_ =	shalt  }
0x6e: {  	_ =	shalt  }
0x6f: {  	_ =	shalt  }
0x70: {  	_ =	shalt  }
0x71: {  	_ =	shalt  }
0x72: {  	_ =	shalt  }
0x73: {  	_ =	shalt  }
0x74: {  	_ =	shalt  }
0x75: {  	_ =	shalt  }
0x76: {  	_ =	shalt  }
0x77: {  	_ =	shalt  }
0x78: {  	_ =	shalt  }
0x79: {  	_ =	shalt  }
0x7a: {  	_ =	shalt  }
0x7b: {  	_ =	shalt  }
0x7c: {  	_ =	shalt  }
0x7d: {  	_ =	shalt  }
0x7e: {  	_ =	shalt  }
0x7f: {  	_ =	shalt  }
0x80: {  	_ =	shalt  }
0x81: {  	_ =	shalt  }
0x82: {  	_ =	shalt  }
0x83: {  	_ =	shalt  }
0x84: {  	_ =	shalt  }
0x85: {  	_ =	shalt  }
0x86: {  	_ =	shalt  }
0x87: {  	_ =	shalt  }
.Lfunc_end0:
.L_simem_size_0:
called_computation_lowered:
.L_overlay_start_0:
0x88: {  	s2 =	sld [smem:$0x3FD9]  }
0x89: {  	s3 =	sld [smem:$0x3FFE];
	_ =	sdelay $0x1  }
0x8a: {  	s1 =	srdreg.scid  }
0x8b: {  	s0 =	sand.u32 $0x1, s1  }
0x8c: {  	s18 =	sshll.u32 s0, $0xA;
	s2 =	sadd.s32 s3, s2  }
0x8d: {  	s2 =	sadd.s32 s2, s18  }
0x8e: {  	[smem:$0x3FC6] =	sst s2  }
0x8f: {  	_ = 	snop  }
0x90: {  	s2 =	sld [smem:$0x3FC9]  }
0x91: {  	s19 =	sld [smem:$0x3FC8]  }
0x92: {  	s4 =	sld [smem:$0x3FD0];
	(tm) =	ssettm $0x1  }
0x93: {  	s5 =	sld [smem:$0x3FFB];
	_ =	sdelay $0x3  }
0x94: {  	_ =	strace s5  }
0x95: {  	s5 =	sld [smem:$0x3FFC];
	_ =	sdelay $0x3  }
0x96: {  	_ =	strace s5  }
0x97: {  	s5 =	sld [smem:$0x3FFD];
	_ =	sdelay $0x3  }
0x98: {  	_ =	strace s5  }
0x99: {  	_ =	strace $0x8FFFFFFF  }
0x9a: {  	s20 =	sld [smem:$0x3FDB];
	_ =	sdelay $0x1  }
0x9b: {  	s6 =	simm.s32 $_scs_section_size  }
0x9c: {  	s7 =	simm.s32 $_size__tile_overlayer_lowered;
	s8 =	simm.s32 $_tile_overlayer_lowered  }
0x9d: {  	s23 =	simm.s32 $0x1BFF;
	s22 =	sshll.u32 s8, $0x1;
	s5 =	sadd.s32 s6, s20  }
0x9e: {  	s9 =	simm.s32 $0x0;
	s21 =	sshll.u32 s7, $0x1;
	s7 =	sadd.s32 s22, s5  }
0x9f: {  	[timem:s9], [sflag:s23] =	dma.local [hbm:s7], s21  }
0xa0: {  	_ =	swait.ge [sflag:s23], s21  }
0xa1: {  	s6 =	ssub.s32 $0x0, s21;
	[sflag:s23] =	ssyncset.done $0x0  }
0xa2: {  	[sflag:s23] =	ssyncadd.s32 s6;
	_ =	sdelay $0x1  }
0xa3: {  	s24 =	simm.s32 $0x1B8B  }
0xa4: {  	_ =	swait.ge [sflag:s24], $0x1  }
0xa5: {  	[sflag:s24] =	ssyncset.done $0x0  }
0xa6: {  	s25 =	simm.s32 $0x1B8E;
	[sflag:s24] =	ssyncadd.s32 $0xFFFFFFFF  }
0xa7: {  	s26 =	simm.s32 $execute0_lowered;
	[smem:$0x3FD2] =	sst s25  }
0xa8: {  	s6 =	sshll.u32 s26, $0x1;
	_ =	strace $0x80000046;
	[dreg:$0x1] =	wrdreg $0xFFFFFFFF  }
0xa9: {  	s28 =	simm.s32 $_size_execute0_lowered;
	s5 =	sadd.s32 s5, s6;
	[dreg:$0x0] =	wrdreg $0x0  }
0xaa: {  	s6 =	sshll.u32 s28, $0x1;
	[dreg:$0x2] =	wrdreg s5  }
0xab: {  	[dreg:$0x3] =	wrdreg s6  }
0xac: {  	[dreg:$0x4] =	wrdreg $0xC0  }
0xad: {  	_ =	task [dreg:s9], $0x5FFFF  }
0xae: {  	[dreg:$0x1] =	wrdreg $0xFFFFFFFF  }
0xaf: {  	[dreg:$0x0] =	wrdreg $0x60  }
0xb0: {  	[dreg:$0x2] =	wrdreg s19  }
0xb1: {  	[dreg:$0x3] =	wrdreg s2  }
0xb2: {  	[dreg:$0x4] =	wrdreg s4  }
0xb3: {  	[dreg:$0x5] =	wrdreg $0x9  }
0xb4: {  	_ =	task.clear_ibuf [dreg:s9], $0x6FFFF;
	_ =	strace $0x90000046  }
0xb5: {  	s29 =	simm.s32 $0x9;
	_ =	strace $0x80000048  }
0xb6: {  	_ =	swait.ge [sflag:s29], $0x1  }
0xb7: {  	[sflag:s29] =	ssyncadd.s32 $0xFFFFFFFF  }
0xb8: {  	_ =	strace $0x90000048  }
0xb9: {  	_ =	sfence  }
0xba: {  	s30 =	sld [smem:$0x0];
	_ =	sdelay $0x2  }
0xbb: {  	s31 =	sshll.u32 s1, $0xD;
	s1 =	sshrl.u32 s1, $0x2  }
0xbc: {  	s3 =	sand.u32 $0x4000, s31;
	s1 =	sadd.s32 s1, s30  }
0xbd: {  	s0 =	sor.u32 s3, s0;
	s1 =	sshll.u32 s1, $0x11  }
0xbe: {  	s0 =	sor.u32 s1, s0  }
0xbf: {  	s0 =	sadd.s32 $0x8F2B, s0  }
0xc0: {  	[sflag:s0] =	ssyncadd.remote.s32 $0x1  }
0xc1: {  	_ =	sfence.sel $0xFFFF  }
0xc2: {  	[dreg:$0x0] =	wrdreg $0xFFFFFFFF;
	(pc) =	sbr.abs _section_cstart, $3  }
0xc3: {  	[dreg:$0x1] =	wrdreg $0xFFFFFFFF  }
0xc4: {  	_ =	task.clear_ibuf [dreg:s9], $0x2FFFF;
	_ =	strace $0x9FFFFFFF  }
0xc5: {  	(tm) =	ssettm $0x7FFFFFFF  }
tec
execute0_lowered:
.L_overlay_start_1:
0x0: {  	(tag) =	ssettag $0x1  }
0x1: {  	s1 =	rddreg [dreg:$0x0]  }
0x2: {  	s0 =	rddreg [dreg:$0x1]  }
0x3: {  	s3 =	rddreg [dreg:$0x2];
	s2 =	srdreg.scid  }
0x4: {  	s4 =	simm.s32 $0x0;
	s8 =	stileid.u32;
	s2 =	sand.u32 $0x1, s2  }
0x5: {  	s28 =	simm.s32 $0x80;
	s6 =	sshll.u32 s8, $0x7;
	s5 =	sshll.u32 s2, $0xB  }
0x6: {  	[smem:$0x7FF] =	sst s4;
	s7 =	ssub.s32 $0x2, s2;
	s5 =	sor.u32 s6, s5  }
0x7: {  	_ =	strace $0x80000047;
	s24 =	sshrl.u32 s7, $0x1;
	s9 =	sadd.s32 s0, s5  }
0x8: {  	s25 =	sshll.u32 s5, $0x4;
	[dreg:$0x4] =	wrdreg s9;
	s9 =	sadd.s32 $0x6000, s9  }
0x9: {  	s26 =	ssub.s32 s7, s24;
	s10 =	sadd.s32 s3, s25;
	[dreg:$0x5] =	wrdreg s9  }
0xa: {  	s29 =	simm.s32 $0x1C00;
	s5 =	smax.u32 s26, $0x1;
	[dreg:$0x6] =	wrdreg s10  }
0xb: {  	s30 =	simm.s32 $0x5C00;
	s0 =	sadd.s32 $0x10000, s10;
	[dreg:$0x10] =	wrdreg s5  }
0xc: {  	s31 =	simm.s32 $0x2;
	s11 =	sadd.s32 $0x20000, s10;
	[dreg:$0x7] =	wrdreg s0  }
0xd: {  	s15 =	sshll.u32 s8, $0xE;
	s12 =	sadd.s32 $0x30000, s10;
	[dreg:$0x8] =	wrdreg s11  }
0xe: {  	s8 =	simm.s32 $0x3;
	s13 =	sadd.s32 $0x40000, s10;
	[dreg:$0x9] =	wrdreg s12  }
0xf: {  	s14 =	sshll.u32 s2, $0x12;
	s16 =	sadd.s32 $0x2D0000, s10;
	[dreg:$0xa] =	wrdreg s13  }
0x10: {  	s17 =	sadd.s32 $0x2E0000, s10;
	s18 =	sadd.s32 $0x2F0000, s10;
	[dreg:$0xb] =	wrdreg s16  }
0x11: {  	s19 =	sadd.s32 $0x300000, s10;
	s6 =	sadd.s32 $0x310000, s10;
	[dreg:$0xc] =	wrdreg s17  }
0x12: {  	s9 =	simm.s32 $0x7;
	s10 =	simm.s32 $0x4;
	[dreg:$0xd] =	wrdreg s18  }
0x13: {  	s5 =	simm.s32 $0x5;
	s0 =	sor.u32 s15, s14;
	[dreg:$0xe] =	wrdreg s19  }
0x14: {  	[dreg:$0xf] =	wrdreg s6;
	s17 =	simm.s32 $0x1800;
	s6 =	simm.s32 $0x6  }
0x15: {  	s11 =	simm.s32 $0x8;
	s12 =	simm.s32 $0x9;
	s13 =	simm.s32 $0xA  }
0x16: {  	s14 =	simm.s32 $0x0;
	s20 =	sor.u32 $0x380000, s0;
	s21 =	sor.u32 $0x300000, s0  }
0x17: {  	s23 =	sor.u32 $0x480000, s0;
	s24 =	sor.u32 $0x400000, s0;
	s0 =	sor.u32 $0x280000, s0  }
0x18: {  	s2 =	sshrl.u32 s20, $0x3;
	s22 =	sshrl.u32 s21, $0x3;
	[dreg:$0x13] =	wrdreg s0  }
0x19: {  	s25 =	sshrl.u32 s23, $0x3;
	s26 =	sshrl.u32 s24, $0x3;
	s0 =	simm.s32 $0x9C00  }
0x1a: {  	s23 =	simm.s32 $0xDC00;
	s24 =	simm.s32 $0x1;
	s2 =	sadd.s32 s2, s3  }
0x1b: {  	s18 =	sadd.s32 s25, s3;
	[dreg:$0x11] =	wrdreg s2;
	s2 =	sadd.s32 s22, s3  }
0x1c: {  	s22 =	sadd.s32 s26, s3;
	[dreg:$0x12] =	wrdreg s2;
	s2 =	simm.s32 $0x11C00  }
.LBB2_1:
0x1d: {  	s7 =	rddreg [dreg:$0x4];
	s15 =	simm.s32 $0x400;
	s16 =	simm.s32 $0x8000  }
0x1e: {  	[tilespmem:s4], [sflag:$0xB] =	stream.strided.gather [hbm4b:s7+s15], $0x1800, s16, s15, $0x38;
	[tilespmem:$0x15C00] =	vst v63  }
0x1f: {  	s21 =	rddreg [dreg:$0x5];
	s25 =	simm.s32 $0xB  }
0x20: {  	[tilespmem:s17], [sflag:$0xB] =	stream.linear.gather [hbm4b:s21+s4], $0x100, $0x38;
	[tilespmem:$0x15C00] =	vst v63  }
0x21: {  	_ =	swait.ge [sflag:s25], $0x1900  }
0x22: {  	[sflag:s25] =	ssyncset.done $0x0  }
0x23: {  	[sflag:s25] =	ssyncadd.s32 $0xFFFFE700  }
0x24: {  	[tilespmem:s29], [sflag:$0x1] =	stream.indirect.gather [hbm4b:s1+s28], $0x80, s4, s28, $0xb8;
	[tilespmem:$0x15C00] =	vst v63  }
0x25: {  	_ = 	snop  }
0x26: {  	[tilespmem:s30], [sflag:$0x2] =	stream.indirect.gather [hbm4b:s1+s28], $0x80, s28, s28, $0xb8;
	[tilespmem:$0x15C00] =	vst v63  }
0x27: {  	s26 =	simm.s32 $0x100  }
0x28: {  	[tilespmem:s0], [sflag:$0x3] =	stream.indirect.gather [hbm4b:s1+s28], $0x80, s26, s28, $0xb8;
	[tilespmem:$0x15C00] =	vst v63  }
0x29: {  	s15 =	simm.s32 $0x180  }
0x2a: {  	[tilespmem:s23], [sflag:$0x4] =	stream.indirect.gather [hbm4b:s1+s28], $0x80, s15, s28, $0xb8;
	[tilespmem:$0x15C00] =	vst v63  }
0x2b: {  	_ =	swait.ge [sflag:s24], $0x4000  }
0x2c: {  	[sflag:s24] =	ssyncset.done $0x0  }
0x2d: {  	s16 =	rddreg [dreg:$0x6];
	[sflag:s24] =	ssyncadd.s32 $0xFFFFC000  }
0x2e: {  	[hbm4b:s16+s4] =	stream.linear.scatter [tilespmem:s29], [sflag:$0x6], $0x4000, $0x38;
	[tilespmem:$0x15C00] =	vst v63  }
0x2f: {  	s17 =	simm.s32 $0x200  }
0x30: {  	[tilespmem:s2], [sflag:$0x5] =	stream.indirect.gather [hbm4b:s1+s28], $0x80, s17, s28, $0xb8;
	[tilespmem:$0x15C00] =	vst v63  }
0x31: {  	_ =	swait.ge [sflag:s31], $0x4000  }
0x32: {  	[sflag:s31] =	ssyncset.done $0x0  }
0x33: {  	s19 =	rddreg [dreg:$0x7];
	[sflag:s31] =	ssyncadd.s32 $0xFFFFC000  }
0x34: {  	[hbm4b:s19+s4] =	stream.linear.scatter [tilespmem:s30], [sflag:$0x7], $0x4000, $0x38;
	[tilespmem:$0x15C00] =	vst v63  }
0x35: {  	_ =	swait.ge [sflag:s6], $0x4000  }
0x36: {  	[sflag:s6] =	ssyncset.done $0x0  }
0x37: {  	s20 =	simm.s32 $0x280;
	[sflag:s6] =	ssyncadd.s32 $0xFFFFC000  }
0x38: {  	[tilespmem:s29], [sflag:$0x1] =	stream.indirect.gather [hbm4b:s1+s28], $0x80, s20, s28, $0xb8;
	[tilespmem:$0x15C00] =	vst v63  }
0x39: {  	_ =	swait.ge [sflag:s8], $0x4000  }
0x3a: {  	[sflag:s8] =	ssyncset.done $0x0  }
0x3b: {  	s21 =	rddreg [dreg:$0x8];
	[sflag:s8] =	ssyncadd.s32 $0xFFFFC000  }
0x3c: {  	[hbm4b:s21+s4] =	stream.linear.scatter [tilespmem:s0], [sflag:$0x8], $0x4000, $0x38;
	[tilespmem:$0x15C00] =	vst v63  }
0x3d: {  	_ =	swait.ge [sflag:s9], $0x4000  }
0x3e: {  	[sflag:s9] =	ssyncset.done $0x0  }
0x3f: {  	s25 =	simm.s32 $0x300;
	[sflag:s9] =	ssyncadd.s32 $0xFFFFC000  }
0x40: {  	[tilespmem:s30], [sflag:$0x2] =	stream.indirect.gather [hbm4b:s1+s28], $0x80, s25, s28, $0xb8;
	[tilespmem:$0x15C00] =	vst v63  }
0x41: {  	_ =	swait.ge [sflag:s10], $0x4000  }
0x42: {  	[sflag:s10] =	ssyncset.done $0x0  }
0x43: {  	s26 =	rddreg [dreg:$0x9];
	[sflag:s10] =	ssyncadd.s32 $0xFFFFC000  }
0x44: {  	[hbm4b:s26+s4] =	stream.linear.scatter [tilespmem:s23], [sflag:$0x9], $0x4000, $0x38;
	[tilespmem:$0x15C00] =	vst v63  }
0x45: {  	_ =	swait.ge [sflag:s11], $0x4000  }
0x46: {  	[sflag:s11] =	ssyncset.done $0x0  }
0x47: {  	s15 =	simm.s32 $0x380;
	[sflag:s11] =	ssyncadd.s32 $0xFFFFC000  }
0x48: {  	[tilespmem:s0], [sflag:$0x3] =	stream.indirect.gather [hbm4b:s1+s28], $0x80, s15, s28, $0xb8;
	[tilespmem:$0x15C00] =	vst v63  }
0x49: {  	_ =	swait.ge [sflag:s5], $0x4000  }
0x4a: {  	[sflag:s5] =	ssyncset.done $0x0  }
0x4b: {  	s16 =	rddreg [dreg:$0xa];
	[sflag:s5] =	ssyncadd.s32 $0xFFFFC000  }
0x4c: {  	[hbm4b:s16+s4] =	stream.linear.scatter [tilespmem:s2], [sflag:$0xA], $0x4000, $0x38;
	[tilespmem:$0x15C00] =	vst v63  }
0x4d: {  	_ =	swait.ge [sflag:s12], $0x4000  }
0x4e: {  	[sflag:s12] =	ssyncset.done $0x0  }
0x4f: {  	s17 =	simm.s32 $0x400;
	[sflag:s12] =	ssyncadd.s32 $0xFFFFC000  }
0x50: {  	[tilespmem:s23], [sflag:$0x4] =	stream.indirect.gather [hbm4b:s1+s28], $0x80, s17, s28, $0xb8;
	[tilespmem:$0x15C00] =	vst v63  }
0x51: {  	_ =	swait.ge [sflag:s24], $0x4000  }
0x52: {  	s17 =	rddreg [dreg:$0x13]  }
0x53: {  	[sflag:s24] =	ssyncset.done $0x0;
	s19 =	sshrl.u32 s17, $0x3  }
0x54: {  	[sflag:s24] =	ssyncadd.s32 $0xFFFFC000;
	s7 =	sadd.s32 s3, s19  }
0x55: {  	[hbm4b:s7+s4] =	stream.linear.scatter [tilespmem:s29], [sflag:$0x6], $0x4000, $0x38;
	[tilespmem:$0x15C00] =	vst v63  }
0x56: {  	_ =	swait.ge [sflag:s13], $0x4000  }
0x57: {  	[sflag:s13] =	ssyncset.done $0x0  }
0x58: {  	s20 =	simm.s32 $0x480;
	[sflag:s13] =	ssyncadd.s32 $0xFFFFC000  }
0x59: {  	[tilespmem:s2], [sflag:$0x5] =	stream.indirect.gather [hbm4b:s1+s28], $0x80, s20, s28, $0xb8;
	[tilespmem:$0x15C00] =	vst v63  }
0x5a: {  	_ =	swait.ge [sflag:s31], $0x4000  }
0x5b: {  	[sflag:s31] =	ssyncset.done $0x0  }
0x5c: {  	s20 =	rddreg [dreg:$0x12];
	[sflag:s31] =	ssyncadd.s32 $0xFFFFC000  }
0x5d: {  	[hbm4b:s20+s4] =	stream.linear.scatter [tilespmem:s30], [sflag:$0x7], $0x4000, $0x38;
	[tilespmem:$0x15C00] =	vst v63  }
0x5e: {  	_ =	swait.ge [sflag:s6], $0x4000  }
0x5f: {  	[sflag:s6] =	ssyncset.done $0x0  }
0x60: {  	s21 =	simm.s32 $0x500;
	[sflag:s6] =	ssyncadd.s32 $0xFFFFC000  }
0x61: {  	[tilespmem:s29], [sflag:$0x1] =	stream.indirect.gather [hbm4b:s1+s28], $0x80, s21, s28, $0xb8;
	[tilespmem:$0x15C00] =	vst v63  }
0x62: {  	_ =	swait.ge [sflag:s8], $0x4000  }
0x63: {  	[sflag:s8] =	ssyncset.done $0x0  }
0x64: {  	s19 =	rddreg [dreg:$0x11];
	[sflag:s8] =	ssyncadd.s32 $0xFFFFC000  }
0x65: {  	[hbm4b:s19+s4] =	stream.linear.scatter [tilespmem:s0], [sflag:$0x8], $0x4000, $0x38;
	[tilespmem:$0x15C00] =	vst v63  }
0x66: {  	_ =	swait.ge [sflag:s9], $0x4000  }
0x67: {  	[sflag:s9] =	ssyncset.done $0x0  }
0x68: {  	s25 =	simm.s32 $0x580;
	[sflag:s9] =	ssyncadd.s32 $0xFFFFC000  }
0x69: {  	[tilespmem:s30], [sflag:$0x2] =	stream.indirect.gather [hbm4b:s1+s28], $0x80, s25, s28, $0xb8;
	[tilespmem:$0x15C00] =	vst v63  }
0x6a: {  	_ =	swait.ge [sflag:s10], $0x4000  }
0x6b: {  	[sflag:s10] =	ssyncset.done $0x0  }
0x6c: {  	[sflag:s10] =	ssyncadd.s32 $0xFFFFC000  }
0x6d: {  	[hbm4b:s22+s4] =	stream.linear.scatter [tilespmem:s23], [sflag:$0x9], $0x4000, $0x38;
	[tilespmem:$0x15C00] =	vst v63  }
0x6e: {  	_ =	swait.ge [sflag:s11], $0x4000  }
0x6f: {  	[sflag:s11] =	ssyncset.done $0x0  }
0x70: {  	s26 =	simm.s32 $0x600;
	s15 =	simm.s32 $0xA00;
	[sflag:s11] =	ssyncadd.s32 $0xFFFFC000  }
0x71: {  	[tilespmem:s0], [sflag:$0x3] =	stream.indirect.gather [hbm4b:s1+s28], $0x80, s26, s28, $0xb8;
	[tilespmem:$0x15C00] =	vst v63  }
0x72: {  	s16 =	sadd.s32 $0x50000, s22;
	s17 =	sadd.s32 $0x280000, s17;
	_ =	swait.ge [sflag:s5], $0x4000  }
0x73: {  	s21 =	smov.u32 s18;
	s7 =	sadd.s32 $0x50000, s19;
	[sflag:s5] =	ssyncset.done $0x0  }
0x74: {  	s25 =	sadd.s32 $0x50000, s18;
	s26 =	sadd.s32 $0x50000, s20;
	[sflag:s5] =	ssyncadd.s32 $0xFFFFC000  }
.LBB2_2:
0x75: {  	[hbm4b:s21+s4] =	stream.linear.scatter [tilespmem:s2], [sflag:$0xA], $0x4000, $0x38;
	[tilespmem:$0x15C00] =	vst v63  }
0x76: {  	s19 =	smov.u32 s15;
	s21 =	smov.u32 s25  }
0x77: {  	p0 =	sne.s32 s15, $0x4600;
	s15 =	sadd.s32 $0xA00, s15;
	_ =	swait.ge [sflag:s12], $0x4000  }
0x78: {  	s19 =	sshra.s32 s19, $0x2;
	[sflag:s12] =	ssyncset.done $0x0  }
0x79: {  	s20 =	sadd.s32 $0x400, s19;
	[sflag:s12] =	ssyncadd.s32 $0xFFFFC000  }
0x7a: {  	[tilespmem:s23], [sflag:$0x4] =	stream.indirect.gather [hbm4b:s1+s28], $0x80, s20, s28, $0xb8;
	[tilespmem:$0x15C00] =	vst v63  }
0x7b: {  	_ =	swait.ge [sflag:s24], $0x4000  }
0x7c: {  	s20 =	sshrl.u32 s17, $0x3;
	[sflag:s24] =	ssyncset.done $0x0  }
0x7d: {  	s20 =	sadd.s32 s3, s20;
	[sflag:s24] =	ssyncadd.s32 $0xFFFFC000  }
0x7e: {  	[hbm4b:s20+s4] =	stream.linear.scatter [tilespmem:s29], [sflag:$0x6], $0x4000, $0x38;
	[tilespmem:$0x15C00] =	vst v63  }
0x7f: {  	_ =	swait.ge [sflag:s13], $0x4000  }
0x80: {  	[sflag:s13] =	ssyncset.done $0x0  }
0x81: {  	s20 =	sadd.s32 $0x480, s19;
	[sflag:s13] =	ssyncadd.s32 $0xFFFFC000  }
0x82: {  	[tilespmem:s2], [sflag:$0x5] =	stream.indirect.gather [hbm4b:s1+s28], $0x80, s20, s28, $0xb8;
	[tilespmem:$0x15C00] =	vst v63  }
0x83: {  	_ =	swait.ge [sflag:s31], $0x4000  }
0x84: {  	[sflag:s31] =	ssyncset.done $0x0  }
0x85: {  	[sflag:s31] =	ssyncadd.s32 $0xFFFFC000  }
0x86: {  	[hbm4b:s26+s4] =	stream.linear.scatter [tilespmem:s30], [sflag:$0x7], $0x4000, $0x38;
	[tilespmem:$0x15C00] =	vst v63  }
0x87: {  	_ =	swait.ge [sflag:s6], $0x4000  }
0x88: {  	[sflag:s6] =	ssyncset.done $0x0  }
0x89: {  	s20 =	sadd.s32 $0x500, s19;
	[sflag:s6] =	ssyncadd.s32 $0xFFFFC000  }
0x8a: {  	[tilespmem:s29], [sflag:$0x1] =	stream.indirect.gather [hbm4b:s1+s28], $0x80, s20, s28, $0xb8;
	[tilespmem:$0x15C00] =	vst v63  }
0x8b: {  	_ =	swait.ge [sflag:s8], $0x4000  }
0x8c: {  	[sflag:s8] =	ssyncset.done $0x0  }
0x8d: {  	[sflag:s8] =	ssyncadd.s32 $0xFFFFC000  }
0x8e: {  	[hbm4b:s7+s4] =	stream.linear.scatter [tilespmem:s0], [sflag:$0x8], $0x4000, $0x38;
	[tilespmem:$0x15C00] =	vst v63  }
0x8f: {  	_ =	swait.ge [sflag:s9], $0x4000  }
0x90: {  	[sflag:s9] =	ssyncset.done $0x0  }
0x91: {  	s20 =	sadd.s32 $0x580, s19;
	[sflag:s9] =	ssyncadd.s32 $0xFFFFC000  }
0x92: {  	[tilespmem:s30], [sflag:$0x2] =	stream.indirect.gather [hbm4b:s1+s28], $0x80, s20, s28, $0xb8;
	[tilespmem:$0x15C00] =	vst v63  }
0x93: {  	_ =	swait.ge [sflag:s10], $0x4000  }
0x94: {  	[sflag:s10] =	ssyncset.done $0x0  }
0x95: {  	[sflag:s10] =	ssyncadd.s32 $0xFFFFC000  }
0x96: {  	[hbm4b:s16+s4] =	stream.linear.scatter [tilespmem:s23], [sflag:$0x9], $0x4000, $0x38;
	[tilespmem:$0x15C00] =	vst v63  }
0x97: {  	_ =	swait.ge [sflag:s11], $0x4000  }
0x98: {  	[sflag:s11] =	ssyncset.done $0x0  }
.Ltmp0:
0x99: {  	s19 =	sadd.s32 $0x600, s19;
	[sflag:s11] =	ssyncadd.s32 $0xFFFFC000;
	(pc) =	sbr.rel @p0 .LBB2_2-.Ltmp0, $4  }
0x9a: {  	[tilespmem:s0], [sflag:$0x3] =	stream.indirect.gather [hbm4b:s1+s28], $0x80, s19, s28, $0xb8;
	[tilespmem:$0x15C00] =	vst v63  }
0x9b: {  	s16 =	sadd.s32 $0x50000, s16;
	_ =	swait.ge [sflag:s5], $0x4000  }
0x9c: {  	s25 =	sadd.s32 $0x50000, s25;
	s17 =	sadd.s32 $0x280000, s17;
	[sflag:s5] =	ssyncset.done $0x0  }
0x9d: {  	s26 =	sadd.s32 $0x50000, s26;
	s7 =	sadd.s32 $0x50000, s7;
	[sflag:s5] =	ssyncadd.s32 $0xFFFFC000  }
0x9e: {  	[hbm4b:s21+s4] =	stream.linear.scatter [tilespmem:s2], [sflag:$0xA], $0x4000, $0x38;
	[tilespmem:$0x15C00] =	vst v63  }
0x9f: {  	_ =	swait.ge [sflag:s12], $0x4000  }
0xa0: {  	[sflag:s12] =	ssyncset.done $0x0  }
0xa1: {  	s17 =	simm.s32 $0x1800;
	[sflag:s12] =	ssyncadd.s32 $0xFFFFC000  }
0xa2: {  	[tilespmem:s23], [sflag:$0x4] =	stream.indirect.gather [hbm4b:s1+s28], $0x80, s17, s28, $0xb8;
	[tilespmem:$0x15C00] =	vst v63  }
0xa3: {  	_ =	swait.ge [sflag:s24], $0x4000  }
0xa4: {  	[sflag:s24] =	ssyncset.done $0x0  }
0xa5: {  	s7 =	rddreg [dreg:$0xb];
	[sflag:s24] =	ssyncadd.s32 $0xFFFFC000  }
0xa6: {  	[hbm4b:s7+s4] =	stream.linear.scatter [tilespmem:s29], [sflag:$0x6], $0x4000, $0x38;
	[tilespmem:$0x15C00] =	vst v63  }
0xa7: {  	_ =	swait.ge [sflag:s13], $0x4000  }
0xa8: {  	[sflag:s13] =	ssyncset.done $0x0  }
0xa9: {  	s16 =	simm.s32 $0x1880;
	[sflag:s13] =	ssyncadd.s32 $0xFFFFC000  }
0xaa: {  	[tilespmem:s2], [sflag:$0x5] =	stream.indirect.gather [hbm4b:s1+s28], $0x80, s16, s28, $0xb8;
	[tilespmem:$0x15C00] =	vst v63  }
0xab: {  	_ =	swait.ge [sflag:s31], $0x4000  }
0xac: {  	[sflag:s31] =	ssyncset.done $0x0  }
0xad: {  	s19 =	rddreg [dreg:$0xc];
	[sflag:s31] =	ssyncadd.s32 $0xFFFFC000  }
0xae: {  	[hbm4b:s19+s4] =	stream.linear.scatter [tilespmem:s30], [sflag:$0x7], $0x4000, $0x38;
	[tilespmem:$0x15C00] =	vst v63  }
0xaf: {  	_ =	swait.ge [sflag:s6], $0x4000  }
0xb0: {  	[sflag:s6] =	ssyncset.done $0x0  }
0xb1: {  	[sflag:s6] =	ssyncadd.s32 $0xFFFFC000  }
0xb2: {  	_ =	swait.ge [sflag:s8], $0x4000  }
0xb3: {  	[sflag:s8] =	ssyncset.done $0x0  }
0xb4: {  	s20 =	rddreg [dreg:$0xd];
	[sflag:s8] =	ssyncadd.s32 $0xFFFFC000  }
0xb5: {  	[hbm4b:s20+s4] =	stream.linear.scatter [tilespmem:s0], [sflag:$0x8], $0x4000, $0x38;
	[tilespmem:$0x15C00] =	vst v63  }
0xb6: {  	_ =	swait.ge [sflag:s9], $0x4000  }
0xb7: {  	[sflag:s9] =	ssyncset.done $0x0  }
0xb8: {  	[sflag:s9] =	ssyncadd.s32 $0xFFFFC000  }
0xb9: {  	_ =	swait.ge [sflag:s10], $0x4000  }
0xba: {  	[sflag:s10] =	ssyncset.done $0x0  }
0xbb: {  	s21 =	rddreg [dreg:$0xe];
	[sflag:s10] =	ssyncadd.s32 $0xFFFFC000  }
0xbc: {  	[hbm4b:s21+s4] =	stream.linear.scatter [tilespmem:s23], [sflag:$0x9], $0x4000, $0x38;
	[tilespmem:$0x15C00] =	vst v63  }
0xbd: {  	_ =	swait.ge [sflag:s11], $0x4000  }
0xbe: {  	[sflag:s11] =	ssyncset.done $0x0  }
0xbf: {  	[sflag:s11] =	ssyncadd.s32 $0xFFFFC000  }
0xc0: {  	_ =	swait.ge [sflag:s5], $0x4000  }
0xc1: {  	[sflag:s5] =	ssyncset.done $0x0  }
0xc2: {  	s25 =	rddreg [dreg:$0xf];
	[sflag:s5] =	ssyncadd.s32 $0xFFFFC000  }
0xc3: {  	[hbm4b:s25+s4] =	stream.linear.scatter [tilespmem:s2], [sflag:$0xA], $0x4000, $0x38;
	[tilespmem:$0x15C00] =	vst v63  }
0xc4: {  	_ =	swait.ge [sflag:s12], $0x4000  }
0xc5: {  	[sflag:s12] =	ssyncset.done $0x0  }
0xc6: {  	[sflag:s12] =	ssyncadd.s32 $0xFFFFC000  }
0xc7: {  	_ =	swait.ge [sflag:s13], $0x4000  }
0xc8: {  	s14 =	sadd.s32 $0x1, s14;
	s26 =	rddreg [dreg:$0x10]  }
0xc9: {  	p0 =	sne.s32 s14, s26  }
.Ltmp1:
0xca: {  	_ = 	snop;
	(pc) =	sbr.rel @p0 .LBB2_1-.Ltmp1, $3  }
0xcb: {  	_ =	sdelay $0x1  }
0xcc: {  	[sflag:s13] =	ssyncset.done $0x0  }
0xcd: {  	[sflag:s13] =	ssyncadd.s32 $0xFFFFC000  }
0xce: {  	_ =	sfence.sel $0x180000  }
0xcf: {  	[bflag:$0x0] =	sbarrier.arrive $0xFFFF  }
0xd0: {  	_ =	strace $0x90000047  }
0xd1: {  	s0 =	stileid.u32;
	[bflag:$0x2] =	sbarrier.arrive $0xFFFF  }
0xd2: {  	p0 =	sne.s32 s0, $0x0;
	s0 =	rddreg [dreg:$0x3]  }
0xd3: {  	s0 =	sadd.s32 @!p0 $0x100000, s0  }
0xd4: {  	[sflag:s0] =	ssyncadd.tile.s32 @!p0 $0x1;
	_ =	shalt  }
.Lfunc_end2:
_tile_overlayer_lowered:
.L_overlay_start_2:
0xd5: {  	(tag) =	ssettag $0x2  }
0xd6: {  	s0 =	rddreg [dreg:$0x0];
	s2 =	stileid.u32  }
0xd7: {  	s1 =	rddreg [dreg:$0x1];
	p0 =	sne.s32 s2, $0x0  }
0xd8: {  	s3 =	rddreg [dreg:$0x2];
	[bflag:$0x3] =	sbarrier.arrive $0xFFFF;
	s2 =	simm.s32 @!p0 $0x1C0B  }
0xd9: {  	[timem:s3], [sflag:s2] =	dma.local @!p0 [hbm:s0], s1  }
0xda: {  	s0 =	simm.s32 @!p0 $0xB  }
0xdb: {  	_ =	swait.ge @!p0 [sflag:s0], s1  }
0xdc: {  	s1 =	ssub.s32 @!p0 $0x0, s1;
	[sflag:s0] =	ssyncset.done @!p0 $0x0  }
0xdd: {  	[sflag:s0] =	ssyncadd.s32 @!p0 s1  }
0xde: {  	[bflag:$0x3] =	sbarrier.arrive $0xFFFF  }
0xdf: {  	_ =	shalt  }

</sc_bundles>
